<compile_context>
chip_gen: v7x
topology: tpu7x:2x2x1
jax: 0.10.2.dev20260603
libtpu: 0.0.44.dev20260713+nightly
codegen_flags: <defaults>
</compile_context>

<pallas_src>
import functools

import jax
import jax.numpy as jnp
from jax import lax
from jax.experimental import pallas as pl
from jax.experimental.pallas import tpu as pltpu
from jax.experimental.pallas import tpu_sc as plsc

N_NODES = 100000
N_EDGES = 6400000

NC = 2
NS = 16
L = 16
NW = NC * NS
E_PER_W = N_EDGES // NW
CHUNK = 4000
WIN = 4096
N_CHUNKS = E_PER_W // CHUNK
SL = 6240
TAIL = N_NODES - SL * NS

_mesh = plsc.VectorSubcoreMesh(
    core_axis_name="c", subcore_axis_name="s", num_cores=NC, num_subcores=NS
)


@functools.partial(
    pl.kernel,
    mesh=_mesh,
    out_type=jax.ShapeDtypeStruct((N_EDGES,), jnp.float32),
    compiler_params=pltpu.CompilerParams(needs_layout_passes=False),
    scratch_types=[
        pltpu.VMEM((N_NODES,), jnp.float32),
        pltpu.VMEM((2, WIN), jnp.int32),
        pltpu.VMEM((2, WIN), jnp.int32),
        pltpu.VMEM((CHUNK,), jnp.float32),
        pltpu.VMEM((CHUNK,), jnp.float32),
        pltpu.VMEM_SHARED((N_NODES,), jnp.float32),
        pltpu.SemaphoreType.DMA,
        pltpu.SemaphoreType.DMA,
        pltpu.SemaphoreType.DMA,
        pltpu.SemaphoreType.DMA,
    ],
)
def _edge_attn_sc(logits_hbm, ei_hbm, out_hbm,
                  tbl_v, idx_v0, idx_v1, out_v0, out_v1, attn_sh,
                  si0, si1, so0, so1):
    sid = lax.axis_index("s")
    wid = sid * NC + lax.axis_index("c")

    base_w = wid * E_PER_W
    idxs = (idx_v0, idx_v1)
    outs = (out_v0, out_v1)
    sin = (si0, si1)
    sout = (so0, so1)

    def start_in(b, c):
        base = base_w + c * CHUNK
        base_al = pl.multiple_of((base // 128) * 128, 128)
        pltpu.async_copy(ei_hbm.at[:, pl.ds(base_al, WIN)], idxs[b], sin[b])

    def wait_in(b):
        pltpu.make_async_copy(ei_hbm.at[:, pl.ds(0, WIN)], idxs[b], sin[b]).wait()

    def wait_out(b):
        pltpu.make_async_copy(outs[b], out_hbm.at[pl.ds(0, CHUNK)], sout[b]).wait()

    start_in(0, 0)

    s0 = pl.multiple_of(sid * SL, 8)
    pltpu.sync_copy(logits_hbm.at[pl.ds(s0, SL)], tbl_v.at[pl.ds(0, SL)])

    @plsc.parallel_loop(0, SL, step=L, unroll=4)
    def _sig(i):
        x = tbl_v[pl.ds(i, L)]
        tbl_v[pl.ds(i, L)] = 1.0 / (1.0 + jnp.exp(-x))

    pltpu.sync_copy(tbl_v.at[pl.ds(0, SL)], attn_sh.at[pl.ds(s0, SL)])

    @pl.when(sid == NS - 1)
    def _tail():
        pltpu.sync_copy(logits_hbm.at[pl.ds(SL * NS, TAIL)],
                        tbl_v.at[pl.ds(SL, TAIL)])

        @plsc.parallel_loop(SL, SL + TAIL, step=L, unroll=2)
        def _sig_t(i):
            x = tbl_v[pl.ds(i, L)]
            tbl_v[pl.ds(i, L)] = 1.0 / (1.0 + jnp.exp(-x))

        pltpu.sync_copy(tbl_v.at[pl.ds(SL, TAIL)],
                        attn_sh.at[pl.ds(SL * NS, TAIL)])

    plsc.subcore_barrier()
    pltpu.sync_copy(attn_sh, tbl_v)

    def pair_body(p, carry):
        for b in range(2):
            c = 2 * p + b
            cn = jnp.minimum(c + 1, N_CHUNKS - 1)
            start_in(1 - b, cn)
            wait_in(b)
            @pl.when(c >= 2)
            def _():
                wait_out(b)

            iv = idxs[b]
            ov = outs[b]
            base = base_w + c * CHUNK
            off = base - (base // 128) * 128

            @plsc.parallel_loop(0, CHUNK, step=L, unroll=10)
            def _gather(j):
                s = plsc.load_gather(tbl_v, [iv[0, pl.ds(off + j, L)]])
                d = plsc.load_gather(tbl_v, [iv[1, pl.ds(off + j, L)]])
                ov[pl.ds(j, L)] = s * d

            pltpu.async_copy(outs[b], out_hbm.at[pl.ds(base, CHUNK)], sout[b])
        return carry

    lax.fori_loop(0, N_CHUNKS // 2, pair_body, 0)
    wait_out(0)
    wait_out(1)
    wait_in(0)


def kernel(ver_logits, edge_index):
    return _edge_attn_sc(ver_logits, edge_index)

# --- scband reference (transcript-rebuilt; emitter-appended) ---
"""Pipeline reference for scband-lribern-81862076662112 (READ-ONLY COPY).

The authoritative reference and input builder live on the scoring server;
editing this copy changes nothing except your own understanding.
"""

import jax, jax.numpy as jnp
import numpy as np

N_NODES = 100000
N_EDGES = 6400000

def setup_inputs(seed: int = 0) -> dict:
    key = jax.random.key(seed)
    k1, k2 = jax.random.split(key)
    ver_logits = jax.random.normal(k1, (N_NODES,), dtype=jnp.float32)
    # int64 per spec; jax on CPU without x64 stores int32, which is fine for indexing
    edge_index = jax.random.randint(k2, (2, N_EDGES), 0, N_NODES, dtype=jnp.int32)
    return {"ver_logits": ver_logits, "edge_index": edge_index}

def reference(ver_logits, edge_index):
    # LRIBern.sampling with do_sampling=False: attn = sigmoid(logits)
    ver_attn = jax.nn.sigmoid(ver_logits)
    # LRIBern.node_attn_to_edge_attn: gather src/dst node attention, multiply
    src_attn = jnp.take(ver_attn, edge_index[0], axis=0)
    dst_attn = jnp.take(ver_attn, edge_index[1], axis=0)
    edge_attn = src_attn * dst_attn
    return edge_attn

if __name__ == "__main__":
    import jax
    _d = setup_inputs()
    print(jax.jit(kernel)(*tuple(_d.values())))

</pallas_src>

<mosaic_0001>
#map = affine_map<(d0, d1) -> (0)>
#map1 = affine_map<(d0, d1) -> (0, 0)>
module attributes {stable_mosaic.version = 14 : i64} {
  func.func @_edge_attn_sc(%arg0: i32, %arg1: i32, %arg2: memref<100000xf32, #tpu.memory_space<hbm>>, %arg3: memref<2x6400000xi32, #tpu.memory_space<hbm>>, %arg4: memref<6400000xf32, #tpu.memory_space<hbm>>, %arg5: memref<100000xf32, #tpu.memory_space<vmem>>, %arg6: memref<2x4096xi32, #tpu.memory_space<vmem>>, %arg7: memref<2x4096xi32, #tpu.memory_space<vmem>>, %arg8: memref<4000xf32, #tpu.memory_space<vmem>>, %arg9: memref<4000xf32, #tpu.memory_space<vmem>>, %arg10: memref<100000xf32, #tpu.memory_space<vmem_shared>>, %arg11: memref<!tpu.dma_semaphore, #tpu.memory_space<semaphore_mem>>, %arg12: memref<!tpu.dma_semaphore, #tpu.memory_space<semaphore_mem>>, %arg13: memref<!tpu.dma_semaphore, #tpu.memory_space<semaphore_mem>>, %arg14: memref<!tpu.dma_semaphore, #tpu.memory_space<semaphore_mem>>) attributes {dimension_semantics = [#tpu.dimension_semantics<core_parallel>, #tpu.dimension_semantics<subcore_parallel>], iteration_bounds = array<i64: 2, 16>, scalar_prefetch = 0 : i64, scratch_operands = 10 : i64, tpu.core_type = #tpu.core_type<sc_vector_subcore>, window_params = [{transform_indices = #map}, {transform_indices = #map1}, {transform_indices = #map}]} {
    %mul3A = arith.constant 2 : i32
    %mul3A_0 = arith.muli %arg1, %mul3A : i32
    %add3A = arith.addi %mul3A_0, %arg0 : i32
    %mul3A_1 = arith.constant 200000 : i32
    %mul3A_2 = arith.muli %add3A, %mul3A_1 : i32
    %add3A_3 = arith.constant 0 : i32
    %add3A_4 = arith.addi %mul3A_2, %add3A_3 : i32
    %jit3A = arith.constant 128 : i32
    %div3A = arith.divsi %add3A_4, %jit3A : i32
    %sign3A = arith.constant 0 : i32
    %sign3A_5 = arith.cmpi sgt, %add3A_4, %sign3A : i32
    %sign3A_6 = arith.extui %sign3A_5 : i1 to i32
    %sign3A_7 = arith.constant 0 : i32
    %sign3A_8 = arith.cmpi slt, %add3A_4, %sign3A_7 : i32
    %sign3A_9 = arith.extui %sign3A_8 : i1 to i32
    %sign3A_10 = arith.subi %sign3A_6, %sign3A_9 : i32
    %sign3A_11 = arith.constant 0 : i32
    %sign3A_12 = arith.cmpi sgt, %jit3A, %sign3A_11 : i32
    %sign3A_13 = arith.extui %sign3A_12 : i1 to i32
    %sign3A_14 = arith.constant 0 : i32
    %sign3A_15 = arith.cmpi slt, %jit3A, %sign3A_14 : i32
    %sign3A_16 = arith.extui %sign3A_15 : i1 to i32
    %sign3A_17 = arith.subi %sign3A_13, %sign3A_16 : i32
    %ne3A = arith.cmpi ne, %sign3A_10, %sign3A_17 : i32
    %rem3A = arith.remsi %add3A_4, %jit3A : i32
    %ne3A_18 = arith.constant 0 : i32
    %ne3A_19 = arith.cmpi ne, %rem3A, %ne3A_18 : i32
    %and3A = arith.andi %ne3A, %ne3A_19 : i1
    %sub3A = arith.constant 1 : i32
    %sub3A_20 = arith.subi %div3A, %sub3A : i32
    %select_n3A = arith.select %and3A, %sub3A_20, %div3A : i32
    %mul3A_21 = arith.constant 128 : i32
    %mul3A_22 = arith.muli %select_n3A, %mul3A_21 : i32
    %multiple_of3A = tpu.assume_multiple %mul3A_22, 128 : i32
    %dma_start3A = arith.constant 0 : i32
    %dma_start3A_23 = tpu.memref_slice %arg3[%dma_start3A, %multiple_of3A] : memref<2x6400000xi32, #tpu.memory_space<hbm>> -> memref<2x4096xi32, #tpu.memory_space<hbm>>
    %dma_start3A_24 = arith.constant 0 : i32
    %dma_start3A_25 = tpu.memref_slice %arg3[%dma_start3A_24, %multiple_of3A] : memref<2x6400000xi32, #tpu.memory_space<hbm>> -> memref<2x4096xi32, #tpu.memory_space<hbm>>
    tpu.enqueue_dma source(%dma_start3A_25 : memref<2x4096xi32, #tpu.memory_space<hbm>>) target(%arg6 : memref<2x4096xi32, #tpu.memory_space<vmem>>) target_semaphore(%arg11 : memref<!tpu.dma_semaphore, #tpu.memory_space<semaphore_mem>>)
    %mul3A_26 = arith.constant 6240 : i32
    %mul3A_27 = arith.muli %arg1, %mul3A_26 : i32
    %multiple_of3A_28 = tpu.assume_multiple %mul3A_27, 8 : i32
    "tpu.region"() ({
      %run_scoped3A = tpu.sem_alloc : memref<!tpu.dma_semaphore, #tpu.memory_space<semaphore_mem>>
      %dma_start3A_51 = arith.constant 0 : i32
      %dma_start3A_52 = tpu.memref_slice %arg5[%dma_start3A_51] : memref<100000xf32, #tpu.memory_space<vmem>> -> memref<6240xf32, #tpu.memory_space<vmem>>
      %dma_start3A_53 = tpu.memref_slice %arg2[%multiple_of3A_28] : memref<100000xf32, #tpu.memory_space<hbm>> -> memref<6240xf32, #tpu.memory_space<hbm>>
      %dma_start3A_54 = arith.constant 0 : i32
      %dma_start3A_55 = tpu.memref_slice %arg5[%dma_start3A_54] : memref<100000xf32, #tpu.memory_space<vmem>> -> memref<6240xf32, #tpu.memory_space<vmem>>
      %dma_start3A_56 = tpu.memref_slice %arg2[%multiple_of3A_28] : memref<100000xf32, #tpu.memory_space<hbm>> -> memref<6240xf32, #tpu.memory_space<hbm>>
      tpu.enqueue_dma source(%dma_start3A_56 : memref<6240xf32, #tpu.memory_space<hbm>>) target(%dma_start3A_55 : memref<6240xf32, #tpu.memory_space<vmem>>) target_semaphore(%run_scoped3A : memref<!tpu.dma_semaphore, #tpu.memory_space<semaphore_mem>>)
      %dma_wait3A_57 = arith.constant 0 : i32
      %dma_wait3A_58 = tpu.memref_slice %arg5[%dma_wait3A_57] : memref<100000xf32, #tpu.memory_space<vmem>> -> memref<6240xf32, #tpu.memory_space<vmem>>
      %dma_wait3A_59 = tpu.memref_slice %arg2[%multiple_of3A_28] : memref<100000xf32, #tpu.memory_space<hbm>> -> memref<6240xf32, #tpu.memory_space<hbm>>
      %dma_wait3A_60 = arith.constant 0 : i32
      %dma_wait3A_61 = tpu.memref_slice %arg5[%dma_wait3A_60] : memref<100000xf32, #tpu.memory_space<vmem>> -> memref<6240xf32, #tpu.memory_space<vmem>>
      %dma_wait3A_62 = tpu.memref_slice %arg2[%multiple_of3A_28] : memref<100000xf32, #tpu.memory_space<hbm>> -> memref<6240xf32, #tpu.memory_space<hbm>>
      tpu.wait_dma2 semaphore(%run_scoped3A : memref<!tpu.dma_semaphore, #tpu.memory_space<semaphore_mem>>) src(%dma_wait3A_62 : memref<6240xf32, #tpu.memory_space<hbm>>) dst(%dma_wait3A_61 : memref<6240xf32, #tpu.memory_space<vmem>>)
      tpu.yield
    }) : () -> ()
    %parallel_loop3A = arith.constant 0 : i32
    %parallel_loop3A_29 = arith.constant 6240 : i32
    %parallel_loop3A_30 = arith.constant 16 : i32
    scf.for %parallel_loop3A_51 = %parallel_loop3A to %parallel_loop3A_29 step %parallel_loop3A_30  : i32 {
      %parallel_loop3A_52 = arith.index_cast %parallel_loop3A_51 : i32 to index
      %parallel_loop3A_53 = tpu.vector_load %arg5[%parallel_loop3A_52] {strides = array<i32>} : memref<100000xf32, #tpu.memory_space<vmem>>, vector<16xf32>,
      %parallel_loop3A_54 = arith.constant 0.000000e+00 : f32
      %parallel_loop3A_55 = vector.broadcast %parallel_loop3A_54 : f32 to vector<16xf32>
      %parallel_loop3A_56 = arith.subf %parallel_loop3A_55, %parallel_loop3A_53 : vector<16xf32>
      %parallel_loop3A_57 = math.exp %parallel_loop3A_56 : vector<16xf32>
      %parallel_loop3A_58 = arith.constant 1.000000e+00 : f32
      %parallel_loop3A_59 = vector.broadcast %parallel_loop3A_58 : f32 to vector<16xf32>
      %parallel_loop3A_60 = arith.addf %parallel_loop3A_59, %parallel_loop3A_57 : vector<16xf32>
      %parallel_loop3A_61 = arith.constant 1.000000e+00 : f32
      %parallel_loop3A_62 = vector.broadcast %parallel_loop3A_61 : f32 to vector<16xf32>
      %parallel_loop3A_63 = arith.divf %parallel_loop3A_62, %parallel_loop3A_60 : vector<16xf32>
      %parallel_loop3A_64 = arith.index_cast %parallel_loop3A_51 : i32 to index
      %parallel_loop3A_65 = tpu.vector_load %arg5[%parallel_loop3A_64] {strides = array<i32>} : memref<100000xf32, #tpu.memory_space<vmem>>, vector<16xf32>,
      tpu.vector_store %arg5[%parallel_loop3A_64], %parallel_loop3A_63 {strides = array<i32>} : memref<100000xf32, #tpu.memory_space<vmem>>, vector<16xf32>,
    } {sc.loop_unroll_factor = 4 : i64, sc.parallel_access}
    "tpu.region"() ({
      %run_scoped3A = tpu.sem_alloc : memref<!tpu.dma_semaphore, #tpu.memory_space<semaphore_mem>>
      %dma_start3A_51 = arith.constant 0 : i32
      %dma_start3A_52 = tpu.memref_slice %arg5[%dma_start3A_51] : memref<100000xf32, #tpu.memory_space<vmem>> -> memref<6240xf32, #tpu.memory_space<vmem>>
      %dma_start3A_53 = tpu.memref_slice %arg10[%multiple_of3A_28] : memref<100000xf32, #tpu.memory_space<vmem_shared>> -> memref<6240xf32, #tpu.memory_space<vmem_shared>>
      %dma_start3A_54 = tpu.memref_slice %arg10[%multiple_of3A_28] : memref<100000xf32, #tpu.memory_space<vmem_shared>> -> memref<6240xf32, #tpu.memory_space<vmem_shared>>
      %dma_start3A_55 = arith.constant 0 : i32
      %dma_start3A_56 = tpu.memref_slice %arg5[%dma_start3A_55] : memref<100000xf32, #tpu.memory_space<vmem>> -> memref<6240xf32, #tpu.memory_space<vmem>>
      tpu.enqueue_dma source(%dma_start3A_56 : memref<6240xf32, #tpu.memory_space<vmem>>) target(%dma_start3A_54 : memref<6240xf32, #tpu.memory_space<vmem_shared>>) target_semaphore(%run_scoped3A : memref<!tpu.dma_semaphore, #tpu.memory_space<semaphore_mem>>)
      %dma_wait3A_57 = arith.constant 0 : i32
      %dma_wait3A_58 = tpu.memref_slice %arg5[%dma_wait3A_57] : memref<100000xf32, #tpu.memory_space<vmem>> -> memref<6240xf32, #tpu.memory_space<vmem>>
      %dma_wait3A_59 = tpu.memref_slice %arg10[%multiple_of3A_28] : memref<100000xf32, #tpu.memory_space<vmem_shared>> -> memref<6240xf32, #tpu.memory_space<vmem_shared>>
      %dma_wait3A_60 = tpu.memref_slice %arg10[%multiple_of3A_28] : memref<100000xf32, #tpu.memory_space<vmem_shared>> -> memref<6240xf32, #tpu.memory_space<vmem_shared>>
      %dma_wait3A_61 = arith.constant 0 : i32
      %dma_wait3A_62 = tpu.memref_slice %arg5[%dma_wait3A_61] : memref<100000xf32, #tpu.memory_space<vmem>> -> memref<6240xf32, #tpu.memory_space<vmem>>
      tpu.wait_dma2 semaphore(%run_scoped3A : memref<!tpu.dma_semaphore, #tpu.memory_space<semaphore_mem>>) src(%dma_wait3A_62 : memref<6240xf32, #tpu.memory_space<vmem>>) dst(%dma_wait3A_60 : memref<6240xf32, #tpu.memory_space<vmem_shared>>)
      tpu.yield
    }) : () -> ()
    %eq3A = arith.constant 15 : i32
    %eq3A_31 = arith.cmpi eq, %arg1, %eq3A : i32
    %convert_element_type3A = arith.extui %eq3A_31 : i1 to i32
    %cond3A = arith.constant 0 : i32
    %cond3A_32 = arith.cmpi ne, %convert_element_type3A, %cond3A : i32
    scf.if %cond3A_32 {
      "tpu.region"() ({
        %run_scoped3A = tpu.sem_alloc : memref<!tpu.dma_semaphore, #tpu.memory_space<semaphore_mem>>
        %dma_start3A_54 = arith.constant 6240 : i32
        %dma_start3A_55 = tpu.memref_slice %arg5[%dma_start3A_54] : memref<100000xf32, #tpu.memory_space<vmem>> -> memref<160xf32, #tpu.memory_space<vmem>>
        %dma_start3A_56 = arith.constant 99840 : i32
        %dma_start3A_57 = tpu.memref_slice %arg2[%dma_start3A_56] : memref<100000xf32, #tpu.memory_space<hbm>> -> memref<160xf32, #tpu.memory_space<hbm>>
        %dma_start3A_58 = arith.constant 6240 : i32
        %dma_start3A_59 = tpu.memref_slice %arg5[%dma_start3A_58] : memref<100000xf32, #tpu.memory_space<vmem>> -> memref<160xf32, #tpu.memory_space<vmem>>
        %dma_start3A_60 = arith.constant 99840 : i32
        %dma_start3A_61 = tpu.memref_slice %arg2[%dma_start3A_60] : memref<100000xf32, #tpu.memory_space<hbm>> -> memref<160xf32, #tpu.memory_space<hbm>>
        tpu.enqueue_dma source(%dma_start3A_61 : memref<160xf32, #tpu.memory_space<hbm>>) target(%dma_start3A_59 : memref<160xf32, #tpu.memory_space<vmem>>) target_semaphore(%run_scoped3A : memref<!tpu.dma_semaphore, #tpu.memory_space<semaphore_mem>>)
        %dma_wait3A_62 = arith.constant 6240 : i32
        %dma_wait3A_63 = tpu.memref_slice %arg5[%dma_wait3A_62] : memref<100000xf32, #tpu.memory_space<vmem>> -> memref<160xf32, #tpu.memory_space<vmem>>
        %dma_wait3A_64 = arith.constant 99840 : i32
        %dma_wait3A_65 = tpu.memref_slice %arg2[%dma_wait3A_64] : memref<100000xf32, #tpu.memory_space<hbm>> -> memref<160xf32, #tpu.memory_space<hbm>>
        %dma_wait3A_66 = arith.constant 6240 : i32
        %dma_wait3A_67 = tpu.memref_slice %arg5[%dma_wait3A_66] : memref<100000xf32, #tpu.memory_space<vmem>> -> memref<160xf32, #tpu.memory_space<vmem>>
        %dma_wait3A_68 = arith.constant 99840 : i32
        %dma_wait3A_69 = tpu.memref_slice %arg2[%dma_wait3A_68] : memref<100000xf32, #tpu.memory_space<hbm>> -> memref<160xf32, #tpu.memory_space<hbm>>
        tpu.wait_dma2 semaphore(%run_scoped3A : memref<!tpu.dma_semaphore, #tpu.memory_space<semaphore_mem>>) src(%dma_wait3A_69 : memref<160xf32, #tpu.memory_space<hbm>>) dst(%dma_wait3A_67 : memref<160xf32, #tpu.memory_space<vmem>>)
        tpu.yield
      }) : () -> ()
      %parallel_loop3A_51 = arith.constant 6240 : i32
      %parallel_loop3A_52 = arith.constant 6400 : i32
      %parallel_loop3A_53 = arith.constant 16 : i32
      scf.for %parallel_loop3A_54 = %parallel_loop3A_51 to %parallel_loop3A_52 step %parallel_loop3A_53  : i32 {
        %parallel_loop3A_55 = arith.index_cast %parallel_loop3A_54 : i32 to index
        %parallel_loop3A_56 = tpu.vector_load %arg5[%parallel_loop3A_55] {strides = array<i32>} : memref<100000xf32, #tpu.memory_space<vmem>>, vector<16xf32>,
        %parallel_loop3A_57 = arith.constant 0.000000e+00 : f32
        %parallel_loop3A_58 = vector.broadcast %parallel_loop3A_57 : f32 to vector<16xf32>
        %parallel_loop3A_59 = arith.subf %parallel_loop3A_58, %parallel_loop3A_56 : vector<16xf32>
        %parallel_loop3A_60 = math.exp %parallel_loop3A_59 : vector<16xf32>
        %parallel_loop3A_61 = arith.constant 1.000000e+00 : f32
        %parallel_loop3A_62 = vector.broadcast %parallel_loop3A_61 : f32 to vector<16xf32>
        %parallel_loop3A_63 = arith.addf %parallel_loop3A_62, %parallel_loop3A_60 : vector<16xf32>
        %parallel_loop3A_64 = arith.constant 1.000000e+00 : f32
        %parallel_loop3A_65 = vector.broadcast %parallel_loop3A_64 : f32 to vector<16xf32>
        %parallel_loop3A_66 = arith.divf %parallel_loop3A_65, %parallel_loop3A_63 : vector<16xf32>
        %parallel_loop3A_67 = arith.index_cast %parallel_loop3A_54 : i32 to index
        %parallel_loop3A_68 = tpu.vector_load %arg5[%parallel_loop3A_67] {strides = array<i32>} : memref<100000xf32, #tpu.memory_space<vmem>>, vector<16xf32>,
        tpu.vector_store %arg5[%parallel_loop3A_67], %parallel_loop3A_66 {strides = array<i32>} : memref<100000xf32, #tpu.memory_space<vmem>>, vector<16xf32>,
      } {sc.loop_unroll_factor = 2 : i64, sc.parallel_access}
      "tpu.region"() ({
        %run_scoped3A = tpu.sem_alloc : memref<!tpu.dma_semaphore, #tpu.memory_space<semaphore_mem>>
        %dma_start3A_54 = arith.constant 6240 : i32
        %dma_start3A_55 = tpu.memref_slice %arg5[%dma_start3A_54] : memref<100000xf32, #tpu.memory_space<vmem>> -> memref<160xf32, #tpu.memory_space<vmem>>
        %dma_start3A_56 = arith.constant 99840 : i32
        %dma_start3A_57 = tpu.memref_slice %arg10[%dma_start3A_56] : memref<100000xf32, #tpu.memory_space<vmem_shared>> -> memref<160xf32, #tpu.memory_space<vmem_shared>>
        %dma_start3A_58 = arith.constant 99840 : i32
        %dma_start3A_59 = tpu.memref_slice %arg10[%dma_start3A_58] : memref<100000xf32, #tpu.memory_space<vmem_shared>> -> memref<160xf32, #tpu.memory_space<vmem_shared>>
        %dma_start3A_60 = arith.constant 6240 : i32
        %dma_start3A_61 = tpu.memref_slice %arg5[%dma_start3A_60] : memref<100000xf32, #tpu.memory_space<vmem>> -> memref<160xf32, #tpu.memory_space<vmem>>
        tpu.enqueue_dma source(%dma_start3A_61 : memref<160xf32, #tpu.memory_space<vmem>>) target(%dma_start3A_59 : memref<160xf32, #tpu.memory_space<vmem_shared>>) target_semaphore(%run_scoped3A : memref<!tpu.dma_semaphore, #tpu.memory_space<semaphore_mem>>)
        %dma_wait3A_62 = arith.constant 6240 : i32
        %dma_wait3A_63 = tpu.memref_slice %arg5[%dma_wait3A_62] : memref<100000xf32, #tpu.memory_space<vmem>> -> memref<160xf32, #tpu.memory_space<vmem>>
        %dma_wait3A_64 = arith.constant 99840 : i32
        %dma_wait3A_65 = tpu.memref_slice %arg10[%dma_wait3A_64] : memref<100000xf32, #tpu.memory_space<vmem_shared>> -> memref<160xf32, #tpu.memory_space<vmem_shared>>
        %dma_wait3A_66 = arith.constant 99840 : i32
        %dma_wait3A_67 = tpu.memref_slice %arg10[%dma_wait3A_66] : memref<100000xf32, #tpu.memory_space<vmem_shared>> -> memref<160xf32, #tpu.memory_space<vmem_shared>>
        %dma_wait3A_68 = arith.constant 6240 : i32
        %dma_wait3A_69 = tpu.memref_slice %arg5[%dma_wait3A_68] : memref<100000xf32, #tpu.memory_space<vmem>> -> memref<160xf32, #tpu.memory_space<vmem>>
        tpu.wait_dma2 semaphore(%run_scoped3A : memref<!tpu.dma_semaphore, #tpu.memory_space<semaphore_mem>>) src(%dma_wait3A_69 : memref<160xf32, #tpu.memory_space<vmem>>) dst(%dma_wait3A_67 : memref<160xf32, #tpu.memory_space<vmem_shared>>)
        tpu.yield
      }) : () -> ()
    } else {
    }
    %barrier3A = arith.constant 0 : index
    tpu.barrier barrier_id(%barrier3A)
    "tpu.region"() ({
      %run_scoped3A = tpu.sem_alloc : memref<!tpu.dma_semaphore, #tpu.memory_space<semaphore_mem>>
      tpu.enqueue_dma source(%arg10 : memref<100000xf32, #tpu.memory_space<vmem_shared>>) target(%arg5 : memref<100000xf32, #tpu.memory_space<vmem>>) target_semaphore(%run_scoped3A : memref<!tpu.dma_semaphore, #tpu.memory_space<semaphore_mem>>)
      tpu.wait_dma2 semaphore(%run_scoped3A : memref<!tpu.dma_semaphore, #tpu.memory_space<semaphore_mem>>) src(%arg10 : memref<100000xf32, #tpu.memory_space<vmem_shared>>) dst(%arg5 : memref<100000xf32, #tpu.memory_space<vmem>>)
      tpu.yield
    }) : () -> ()
    %scan3A = arith.constant 0 : i32
    %scan3A_33 = arith.constant 0 : i32
    %scan3A_34 = arith.constant 25 : i32
    %scan3A_35 = arith.addi %scan3A_33, %scan3A_34 : i32
    %scan3A_36 = arith.constant 1 : i32
    scf.for %scan3A_51 = %scan3A_33 to %scan3A_35 step %scan3A_36  : i32 {
      %mul3A_52 = arith.constant 2 : i32
      %mul3A_53 = arith.muli %mul3A_52, %scan3A_51 : i32
      %add3A_54 = arith.constant 0 : i32
      %add3A_55 = arith.addi %mul3A_53, %add3A_54 : i32
      %add3A_56 = arith.constant 1 : i32
      %add3A_57 = arith.addi %add3A_55, %add3A_56 : i32
      %min3A = arith.constant 49 : i32
      %min3A_58 = arith.minsi %add3A_57, %min3A : i32
      %mul3A_59 = arith.constant 4000 : i32
      %mul3A_60 = arith.muli %min3A_58, %mul3A_59 : i32
      %add3A_61 = arith.addi %mul3A_2, %mul3A_60 : i32
      %jit3A_62 = arith.constant 128 : i32
      %div3A_63 = arith.divsi %add3A_61, %jit3A_62 : i32
      %sign3A_64 = arith.constant 0 : i32
      %sign3A_65 = arith.cmpi sgt, %add3A_61, %sign3A_64 : i32
      %sign3A_66 = arith.extui %sign3A_65 : i1 to i32
      %sign3A_67 = arith.constant 0 : i32
      %sign3A_68 = arith.cmpi slt, %add3A_61, %sign3A_67 : i32
      %sign3A_69 = arith.extui %sign3A_68 : i1 to i32
      %sign3A_70 = arith.subi %sign3A_66, %sign3A_69 : i32
      %sign3A_71 = arith.constant 0 : i32
      %sign3A_72 = arith.cmpi sgt, %jit3A_62, %sign3A_71 : i32
      %sign3A_73 = arith.extui %sign3A_72 : i1 to i32
      %sign3A_74 = arith.constant 0 : i32
      %sign3A_75 = arith.cmpi slt, %jit3A_62, %sign3A_74 : i32
      %sign3A_76 = arith.extui %sign3A_75 : i1 to i32
      %sign3A_77 = arith.subi %sign3A_73, %sign3A_76 : i32
      %ne3A_78 = arith.cmpi ne, %sign3A_70, %sign3A_77 : i32
      %rem3A_79 = arith.remsi %add3A_61, %jit3A_62 : i32
      %ne3A_80 = arith.constant 0 : i32
      %ne3A_81 = arith.cmpi ne, %rem3A_79, %ne3A_80 : i32
      %and3A_82 = arith.andi %ne3A_78, %ne3A_81 : i1
      %sub3A_83 = arith.constant 1 : i32
      %sub3A_84 = arith.subi %div3A_63, %sub3A_83 : i32
      %select_n3A_85 = arith.select %and3A_82, %sub3A_84, %div3A_63 : i32
      %mul3A_86 = arith.constant 128 : i32
      %mul3A_87 = arith.muli %select_n3A_85, %mul3A_86 : i32
      %multiple_of3A_88 = tpu.assume_multiple %mul3A_87, 128 : i32
      %dma_start3A_89 = arith.constant 0 : i32
      %dma_start3A_90 = tpu.memref_slice %arg3[%dma_start3A_89, %multiple_of3A_88] : memref<2x6400000xi32, #tpu.memory_space<hbm>> -> memref<2x4096xi32, #tpu.memory_space<hbm>>
      %dma_start3A_91 = arith.constant 0 : i32
      %dma_start3A_92 = tpu.memref_slice %arg3[%dma_start3A_91, %multiple_of3A_88] : memref<2x6400000xi32, #tpu.memory_space<hbm>> -> memref<2x4096xi32, #tpu.memory_space<hbm>>
      tpu.enqueue_dma source(%dma_start3A_92 : memref<2x4096xi32, #tpu.memory_space<hbm>>) target(%arg7 : memref<2x4096xi32, #tpu.memory_space<vmem>>) target_semaphore(%arg12 : memref<!tpu.dma_semaphore, #tpu.memory_space<semaphore_mem>>)
      %dma_wait3A_93 = arith.constant 0 : i32
      %dma_wait3A_94 = arith.constant 0 : i32
      %dma_wait3A_95 = tpu.memref_slice %arg3[%dma_wait3A_93, %dma_wait3A_94] : memref<2x6400000xi32, #tpu.memory_space<hbm>> -> memref<2x4096xi32, #tpu.memory_space<hbm>>
      %dma_wait3A_96 = arith.constant 0 : i32
      %dma_wait3A_97 = arith.constant 0 : i32
      %dma_wait3A_98 = tpu.memref_slice %arg3[%dma_wait3A_96, %dma_wait3A_97] : memref<2x6400000xi32, #tpu.memory_space<hbm>> -> memref<2x4096xi32, #tpu.memory_space<hbm>>
      tpu.wait_dma2 semaphore(%arg11 : memref<!tpu.dma_semaphore, #tpu.memory_space<semaphore_mem>>) src(%dma_wait3A_98 : memref<2x4096xi32, #tpu.memory_space<hbm>>) dst(%arg6 : memref<2x4096xi32, #tpu.memory_space<vmem>>)
      %ge3A = arith.constant 2 : i32
      %ge3A_99 = arith.cmpi sge, %add3A_55, %ge3A : i32
      %convert_element_type3A_100 = arith.extui %ge3A_99 : i1 to i32
      %cond3A_101 = arith.constant 0 : i32
      %cond3A_102 = arith.cmpi ne, %convert_element_type3A_100, %cond3A_101 : i32
      scf.if %cond3A_102 {
        %dma_wait3A_226 = arith.constant 0 : i32
        %dma_wait3A_227 = tpu.memref_slice %arg4[%dma_wait3A_226] : memref<6400000xf32, #tpu.memory_space<hbm>> -> memref<4000xf32, #tpu.memory_space<hbm>>
        %dma_wait3A_228 = arith.constant 0 : i32
        %dma_wait3A_229 = tpu.memref_slice %arg4[%dma_wait3A_228] : memref<6400000xf32, #tpu.memory_space<hbm>> -> memref<4000xf32, #tpu.memory_space<hbm>>
        tpu.wait_dma2 semaphore(%arg13 : memref<!tpu.dma_semaphore, #tpu.memory_space<semaphore_mem>>) src(%arg8 : memref<4000xf32, #tpu.memory_space<vmem>>) dst(%dma_wait3A_229 : memref<4000xf32, #tpu.memory_space<hbm>>)
      } else {
      }
      %mul3A_103 = arith.constant 4000 : i32
      %mul3A_104 = arith.muli %add3A_55, %mul3A_103 : i32
      %add3A_105 = arith.addi %mul3A_2, %mul3A_104 : i32
      %jit3A_106 = arith.constant 128 : i32
      %div3A_107 = arith.divsi %add3A_105, %jit3A_106 : i32
      %sign3A_108 = arith.constant 0 : i32
      %sign3A_109 = arith.cmpi sgt, %add3A_105, %sign3A_108 : i32
      %sign3A_110 = arith.extui %sign3A_109 : i1 to i32
      %sign3A_111 = arith.constant 0 : i32
      %sign3A_112 = arith.cmpi slt, %add3A_105, %sign3A_111 : i32
      %sign3A_113 = arith.extui %sign3A_112 : i1 to i32
      %sign3A_114 = arith.subi %sign3A_110, %sign3A_113 : i32
      %sign3A_115 = arith.constant 0 : i32
      %sign3A_116 = arith.cmpi sgt, %jit3A_106, %sign3A_115 : i32
      %sign3A_117 = arith.extui %sign3A_116 : i1 to i32
      %sign3A_118 = arith.constant 0 : i32
      %sign3A_119 = arith.cmpi slt, %jit3A_106, %sign3A_118 : i32
      %sign3A_120 = arith.extui %sign3A_119 : i1 to i32
      %sign3A_121 = arith.subi %sign3A_117, %sign3A_120 : i32
      %ne3A_122 = arith.cmpi ne, %sign3A_114, %sign3A_121 : i32
      %rem3A_123 = arith.remsi %add3A_105, %jit3A_106 : i32
      %ne3A_124 = arith.constant 0 : i32
      %ne3A_125 = arith.cmpi ne, %rem3A_123, %ne3A_124 : i32
      %and3A_126 = arith.andi %ne3A_122, %ne3A_125 : i1
      %sub3A_127 = arith.constant 1 : i32
      %sub3A_128 = arith.subi %div3A_107, %sub3A_127 : i32
      %select_n3A_129 = arith.select %and3A_126, %sub3A_128, %div3A_107 : i32
      %mul3A_130 = arith.constant 128 : i32
      %mul3A_131 = arith.muli %select_n3A_129, %mul3A_130 : i32
      %sub3A_132 = arith.subi %add3A_105, %mul3A_131 : i32
      %parallel_loop3A_133 = arith.constant 0 : i32
      %parallel_loop3A_134 = arith.constant 4000 : i32
      %parallel_loop3A_135 = arith.constant 16 : i32
      scf.for %parallel_loop3A_226 = %parallel_loop3A_133 to %parallel_loop3A_134 step %parallel_loop3A_135  : i32 {
        %parallel_loop3A_227 = arith.addi %sub3A_132, %parallel_loop3A_226 : i32
        %parallel_loop3A_228 = arith.constant 0 : i32
        %parallel_loop3A_229 = arith.index_cast %parallel_loop3A_228 : i32 to index
        %parallel_loop3A_230 = arith.index_cast %parallel_loop3A_227 : i32 to index
        %parallel_loop3A_231 = tpu.vector_load %arg6[%parallel_loop3A_229, %parallel_loop3A_230] {strides = array<i32>} : memref<2x4096xi32, #tpu.memory_space<vmem>>, vector<16xi32>,
        %parallel_loop3A_232 = tpu.vector_load_idx %arg5[%parallel_loop3A_231] : memref<100000xf32, #tpu.memory_space<vmem>>[vector<16xi32>], vector<16xf32>,
        %parallel_loop3A_233 = arith.addi %sub3A_132, %parallel_loop3A_226 : i32
        %parallel_loop3A_234 = arith.constant 1 : i32
        %parallel_loop3A_235 = arith.index_cast %parallel_loop3A_234 : i32 to index
        %parallel_loop3A_236 = arith.index_cast %parallel_loop3A_233 : i32 to index
        %parallel_loop3A_237 = tpu.vector_load %arg6[%parallel_loop3A_235, %parallel_loop3A_236] {strides = array<i32>} : memref<2x4096xi32, #tpu.memory_space<vmem>>, vector<16xi32>,
        %parallel_loop3A_238 = tpu.vector_load_idx %arg5[%parallel_loop3A_237] : memref<100000xf32, #tpu.memory_space<vmem>>[vector<16xi32>], vector<16xf32>,
        %parallel_loop3A_239 = arith.mulf %parallel_loop3A_232, %parallel_loop3A_238 : vector<16xf32>
        %parallel_loop3A_240 = arith.index_cast %parallel_loop3A_226 : i32 to index
        %parallel_loop3A_241 = tpu.vector_load %arg8[%parallel_loop3A_240] {strides = array<i32>} : memref<4000xf32, #tpu.memory_space<vmem>>, vector<16xf32>,
        tpu.vector_store %arg8[%parallel_loop3A_240], %parallel_loop3A_239 {strides = array<i32>} : memref<4000xf32, #tpu.memory_space<vmem>>, vector<16xf32>,
      } {sc.loop_unroll_factor = 10 : i64, sc.parallel_access}
      %dma_start3A_136 = tpu.memref_slice %arg4[%add3A_105] : memref<6400000xf32, #tpu.memory_space<hbm>> -> memref<4000xf32, #tpu.memory_space<hbm>>
      %dma_start3A_137 = tpu.memref_slice %arg4[%add3A_105] : memref<6400000xf32, #tpu.memory_space<hbm>> -> memref<4000xf32, #tpu.memory_space<hbm>>
      tpu.enqueue_dma source(%arg8 : memref<4000xf32, #tpu.memory_space<vmem>>) target(%dma_start3A_137 : memref<4000xf32, #tpu.memory_space<hbm>>) target_semaphore(%arg13 : memref<!tpu.dma_semaphore, #tpu.memory_space<semaphore_mem>>)
      %mul3A_138 = arith.constant 2 : i32
      %mul3A_139 = arith.muli %mul3A_138, %scan3A_51 : i32
      %add3A_140 = arith.constant 1 : i32
      %add3A_141 = arith.addi %mul3A_139, %add3A_140 : i32
      %add3A_142 = arith.constant 1 : i32
      %add3A_143 = arith.addi %add3A_141, %add3A_142 : i32
      %min3A_144 = arith.constant 49 : i32
      %min3A_145 = arith.minsi %add3A_143, %min3A_144 : i32
      %mul3A_146 = arith.constant 4000 : i32
      %mul3A_147 = arith.muli %min3A_145, %mul3A_146 : i32
      %add3A_148 = arith.addi %mul3A_2, %mul3A_147 : i32
      %jit3A_149 = arith.constant 128 : i32
      %div3A_150 = arith.divsi %add3A_148, %jit3A_149 : i32
      %sign3A_151 = arith.constant 0 : i32
      %sign3A_152 = arith.cmpi sgt, %add3A_148, %sign3A_151 : i32
      %sign3A_153 = arith.extui %sign3A_152 : i1 to i32
      %sign3A_154 = arith.constant 0 : i32
      %sign3A_155 = arith.cmpi slt, %add3A_148, %sign3A_154 : i32
      %sign3A_156 = arith.extui %sign3A_155 : i1 to i32
      %sign3A_157 = arith.subi %sign3A_153, %sign3A_156 : i32
      %sign3A_158 = arith.constant 0 : i32
      %sign3A_159 = arith.cmpi sgt, %jit3A_149, %sign3A_158 : i32
      %sign3A_160 = arith.extui %sign3A_159 : i1 to i32
      %sign3A_161 = arith.constant 0 : i32
      %sign3A_162 = arith.cmpi slt, %jit3A_149, %sign3A_161 : i32
      %sign3A_163 = arith.extui %sign3A_162 : i1 to i32
      %sign3A_164 = arith.subi %sign3A_160, %sign3A_163 : i32
      %ne3A_165 = arith.cmpi ne, %sign3A_157, %sign3A_164 : i32
      %rem3A_166 = arith.remsi %add3A_148, %jit3A_149 : i32
      %ne3A_167 = arith.constant 0 : i32
      %ne3A_168 = arith.cmpi ne, %rem3A_166, %ne3A_167 : i32
      %and3A_169 = arith.andi %ne3A_165, %ne3A_168 : i1
      %sub3A_170 = arith.constant 1 : i32
      %sub3A_171 = arith.subi %div3A_150, %sub3A_170 : i32
      %select_n3A_172 = arith.select %and3A_169, %sub3A_171, %div3A_150 : i32
      %mul3A_173 = arith.constant 128 : i32
      %mul3A_174 = arith.muli %select_n3A_172, %mul3A_173 : i32
      %multiple_of3A_175 = tpu.assume_multiple %mul3A_174, 128 : i32
      %dma_start3A_176 = arith.constant 0 : i32
      %dma_start3A_177 = tpu.memref_slice %arg3[%dma_start3A_176, %multiple_of3A_175] : memref<2x6400000xi32, #tpu.memory_space<hbm>> -> memref<2x4096xi32, #tpu.memory_space<hbm>>
      %dma_start3A_178 = arith.constant 0 : i32
      %dma_start3A_179 = tpu.memref_slice %arg3[%dma_start3A_178, %multiple_of3A_175] : memref<2x6400000xi32, #tpu.memory_space<hbm>> -> memref<2x4096xi32, #tpu.memory_space<hbm>>
      tpu.enqueue_dma source(%dma_start3A_179 : memref<2x4096xi32, #tpu.memory_space<hbm>>) target(%arg6 : memref<2x4096xi32, #tpu.memory_space<vmem>>) target_semaphore(%arg11 : memref<!tpu.dma_semaphore, #tpu.memory_space<semaphore_mem>>)
      %dma_wait3A_180 = arith.constant 0 : i32
      %dma_wait3A_181 = arith.constant 0 : i32
      %dma_wait3A_182 = tpu.memref_slice %arg3[%dma_wait3A_180, %dma_wait3A_181] : memref<2x6400000xi32, #tpu.memory_space<hbm>> -> memref<2x4096xi32, #tpu.memory_space<hbm>>
      %dma_wait3A_183 = arith.constant 0 : i32
      %dma_wait3A_184 = arith.constant 0 : i32
      %dma_wait3A_185 = tpu.memref_slice %arg3[%dma_wait3A_183, %dma_wait3A_184] : memref<2x6400000xi32, #tpu.memory_space<hbm>> -> memref<2x4096xi32, #tpu.memory_space<hbm>>
      tpu.wait_dma2 semaphore(%arg12 : memref<!tpu.dma_semaphore, #tpu.memory_space<semaphore_mem>>) src(%dma_wait3A_185 : memref<2x4096xi32, #tpu.memory_space<hbm>>) dst(%arg7 : memref<2x4096xi32, #tpu.memory_space<vmem>>)
      %ge3A_186 = arith.constant 2 : i32
      %ge3A_187 = arith.cmpi sge, %add3A_141, %ge3A_186 : i32
      %convert_element_type3A_188 = arith.extui %ge3A_187 : i1 to i32
      %cond3A_189 = arith.constant 0 : i32
      %cond3A_190 = arith.cmpi ne, %convert_element_type3A_188, %cond3A_189 : i32
      scf.if %cond3A_190 {
        %dma_wait3A_226 = arith.constant 0 : i32
        %dma_wait3A_227 = tpu.memref_slice %arg4[%dma_wait3A_226] : memref<6400000xf32, #tpu.memory_space<hbm>> -> memref<4000xf32, #tpu.memory_space<hbm>>
        %dma_wait3A_228 = arith.constant 0 : i32
        %dma_wait3A_229 = tpu.memref_slice %arg4[%dma_wait3A_228] : memref<6400000xf32, #tpu.memory_space<hbm>> -> memref<4000xf32, #tpu.memory_space<hbm>>
        tpu.wait_dma2 semaphore(%arg14 : memref<!tpu.dma_semaphore, #tpu.memory_space<semaphore_mem>>) src(%arg9 : memref<4000xf32, #tpu.memory_space<vmem>>) dst(%dma_wait3A_229 : memref<4000xf32, #tpu.memory_space<hbm>>)
      } else {
      }
      %mul3A_191 = arith.constant 4000 : i32
      %mul3A_192 = arith.muli %add3A_141, %mul3A_191 : i32
      %add3A_193 = arith.addi %mul3A_2, %mul3A_192 : i32
      %jit3A_194 = arith.constant 128 : i32
      %div3A_195 = arith.divsi %add3A_193, %jit3A_194 : i32
      %sign3A_196 = arith.constant 0 : i32
      %sign3A_197 = arith.cmpi sgt, %add3A_193, %sign3A_196 : i32
      %sign3A_198 = arith.extui %sign3A_197 : i1 to i32
      %sign3A_199 = arith.constant 0 : i32
      %sign3A_200 = arith.cmpi slt, %add3A_193, %sign3A_199 : i32
      %sign3A_201 = arith.extui %sign3A_200 : i1 to i32
      %sign3A_202 = arith.subi %sign3A_198, %sign3A_201 : i32
      %sign3A_203 = arith.constant 0 : i32
      %sign3A_204 = arith.cmpi sgt, %jit3A_194, %sign3A_203 : i32
      %sign3A_205 = arith.extui %sign3A_204 : i1 to i32
      %sign3A_206 = arith.constant 0 : i32
      %sign3A_207 = arith.cmpi slt, %jit3A_194, %sign3A_206 : i32
      %sign3A_208 = arith.extui %sign3A_207 : i1 to i32
      %sign3A_209 = arith.subi %sign3A_205, %sign3A_208 : i32
      %ne3A_210 = arith.cmpi ne, %sign3A_202, %sign3A_209 : i32
      %rem3A_211 = arith.remsi %add3A_193, %jit3A_194 : i32
      %ne3A_212 = arith.constant 0 : i32
      %ne3A_213 = arith.cmpi ne, %rem3A_211, %ne3A_212 : i32
      %and3A_214 = arith.andi %ne3A_210, %ne3A_213 : i1
      %sub3A_215 = arith.constant 1 : i32
      %sub3A_216 = arith.subi %div3A_195, %sub3A_215 : i32
      %select_n3A_217 = arith.select %and3A_214, %sub3A_216, %div3A_195 : i32
      %mul3A_218 = arith.constant 128 : i32
      %mul3A_219 = arith.muli %select_n3A_217, %mul3A_218 : i32
      %sub3A_220 = arith.subi %add3A_193, %mul3A_219 : i32
      %parallel_loop3A_221 = arith.constant 0 : i32
      %parallel_loop3A_222 = arith.constant 4000 : i32
      %parallel_loop3A_223 = arith.constant 16 : i32
      scf.for %parallel_loop3A_226 = %parallel_loop3A_221 to %parallel_loop3A_222 step %parallel_loop3A_223  : i32 {
        %parallel_loop3A_227 = arith.addi %sub3A_220, %parallel_loop3A_226 : i32
        %parallel_loop3A_228 = arith.constant 0 : i32
        %parallel_loop3A_229 = arith.index_cast %parallel_loop3A_228 : i32 to index
        %parallel_loop3A_230 = arith.index_cast %parallel_loop3A_227 : i32 to index
        %parallel_loop3A_231 = tpu.vector_load %arg7[%parallel_loop3A_229, %parallel_loop3A_230] {strides = array<i32>} : memref<2x4096xi32, #tpu.memory_space<vmem>>, vector<16xi32>,
        %parallel_loop3A_232 = tpu.vector_load_idx %arg5[%parallel_loop3A_231] : memref<100000xf32, #tpu.memory_space<vmem>>[vector<16xi32>], vector<16xf32>,
        %parallel_loop3A_233 = arith.addi %sub3A_220, %parallel_loop3A_226 : i32
        %parallel_loop3A_234 = arith.constant 1 : i32
        %parallel_loop3A_235 = arith.index_cast %parallel_loop3A_234 : i32 to index
        %parallel_loop3A_236 = arith.index_cast %parallel_loop3A_233 : i32 to index
        %parallel_loop3A_237 = tpu.vector_load %arg7[%parallel_loop3A_235, %parallel_loop3A_236] {strides = array<i32>} : memref<2x4096xi32, #tpu.memory_space<vmem>>, vector<16xi32>,
        %parallel_loop3A_238 = tpu.vector_load_idx %arg5[%parallel_loop3A_237] : memref<100000xf32, #tpu.memory_space<vmem>>[vector<16xi32>], vector<16xf32>,
        %parallel_loop3A_239 = arith.mulf %parallel_loop3A_232, %parallel_loop3A_238 : vector<16xf32>
        %parallel_loop3A_240 = arith.index_cast %parallel_loop3A_226 : i32 to index
        %parallel_loop3A_241 = tpu.vector_load %arg9[%parallel_loop3A_240] {strides = array<i32>} : memref<4000xf32, #tpu.memory_space<vmem>>, vector<16xf32>,
        tpu.vector_store %arg9[%parallel_loop3A_240], %parallel_loop3A_239 {strides = array<i32>} : memref<4000xf32, #tpu.memory_space<vmem>>, vector<16xf32>,
      } {sc.loop_unroll_factor = 10 : i64, sc.parallel_access}
      %dma_start3A_224 = tpu.memref_slice %arg4[%add3A_193] : memref<6400000xf32, #tpu.memory_space<hbm>> -> memref<4000xf32, #tpu.memory_space<hbm>>
      %dma_start3A_225 = tpu.memref_slice %arg4[%add3A_193] : memref<6400000xf32, #tpu.memory_space<hbm>> -> memref<4000xf32, #tpu.memory_space<hbm>>
      tpu.enqueue_dma source(%arg9 : memref<4000xf32, #tpu.memory_space<vmem>>) target(%dma_start3A_225 : memref<4000xf32, #tpu.memory_space<hbm>>) target_semaphore(%arg14 : memref<!tpu.dma_semaphore, #tpu.memory_space<semaphore_mem>>)
    }
    %scan3A_37 = arith.constant 25 : i32
    %dma_wait3A = arith.constant 0 : i32
    %dma_wait3A_38 = tpu.memref_slice %arg4[%dma_wait3A] : memref<6400000xf32, #tpu.memory_space<hbm>> -> memref<4000xf32, #tpu.memory_space<hbm>>
    %dma_wait3A_39 = arith.constant 0 : i32
    %dma_wait3A_40 = tpu.memref_slice %arg4[%dma_wait3A_39] : memref<6400000xf32, #tpu.memory_space<hbm>> -> memref<4000xf32, #tpu.memory_space<hbm>>
    tpu.wait_dma2 semaphore(%arg13 : memref<!tpu.dma_semaphore, #tpu.memory_space<semaphore_mem>>) src(%arg8 : memref<4000xf32, #tpu.memory_space<vmem>>) dst(%dma_wait3A_40 : memref<4000xf32, #tpu.memory_space<hbm>>)
    %dma_wait3A_41 = arith.constant 0 : i32
    %dma_wait3A_42 = tpu.memref_slice %arg4[%dma_wait3A_41] : memref<6400000xf32, #tpu.memory_space<hbm>> -> memref<4000xf32, #tpu.memory_space<hbm>>
    %dma_wait3A_43 = arith.constant 0 : i32
    %dma_wait3A_44 = tpu.memref_slice %arg4[%dma_wait3A_43] : memref<6400000xf32, #tpu.memory_space<hbm>> -> memref<4000xf32, #tpu.memory_space<hbm>>
    tpu.wait_dma2 semaphore(%arg14 : memref<!tpu.dma_semaphore, #tpu.memory_space<semaphore_mem>>) src(%arg9 : memref<4000xf32, #tpu.memory_space<vmem>>) dst(%dma_wait3A_44 : memref<4000xf32, #tpu.memory_space<hbm>>)
    %dma_wait3A_45 = arith.constant 0 : i32
    %dma_wait3A_46 = arith.constant 0 : i32
    %dma_wait3A_47 = tpu.memref_slice %arg3[%dma_wait3A_45, %dma_wait3A_46] : memref<2x6400000xi32, #tpu.memory_space<hbm>> -> memref<2x4096xi32, #tpu.memory_space<hbm>>
    %dma_wait3A_48 = arith.constant 0 : i32
    %dma_wait3A_49 = arith.constant 0 : i32
    %dma_wait3A_50 = tpu.memref_slice %arg3[%dma_wait3A_48, %dma_wait3A_49] : memref<2x6400000xi32, #tpu.memory_space<hbm>> -> memref<2x4096xi32, #tpu.memory_space<hbm>>
    tpu.wait_dma2 semaphore(%arg11 : memref<!tpu.dma_semaphore, #tpu.memory_space<semaphore_mem>>) src(%dma_wait3A_50 : memref<2x4096xi32, #tpu.memory_space<hbm>>) dst(%arg6 : memref<2x4096xi32, #tpu.memory_space<vmem>>)
    return
  }
}

</mosaic_0001>

<sc_bundles>
// kernel: kernel.3.cloned.1.call-start
scs
__scs_entry_jumppad:
0x0: {  	(pc) =	sbr.rel $0x88, $3  }
0x1: {  	(tag) =	ssettag $0x0;
	lr =	simm.s32 $0x1  }
0x2: {  	[smem:$0x3F9F] =	sst lr;
	_ =	strace $0xD0000000  }
0x3: {  	_ = 	snop  }
0x4: {  	_ = 	snop  }
0x5: {  	_ = 	snop  }
0x6: {  	_ = 	snop  }
0x7: {  	_ = 	snop  }
__scs_overlays_trampoline_lowered:
0x8: {  	[smem:$0x3FAE] =	sst s0  }
0x9: {  	[smem:$0x3FAF] =	sst s1  }
0xa: {  	[smem:$0x3FB0] =	sst s2  }
0xb: {  	[smem:$0x3FB1] =	sst s3  }
0xc: {  	[smem:$0x3FB2] =	sst s4  }
0xd: {  	[smem:$0x3FB3] =	sst s5  }
0xe: {  	[smem:$0x3FB4] =	sst s6  }
0xf: {  	[smem:$0x3FB5] =	sst s7  }
0x10: {  	[smem:$0x3FB6] =	sst s8  }
0x11: {  	[smem:$0x3FB7] =	sst s9;
	s0 =	simm.s32 @!p0 $0x0  }
0x12: {  	s1 =	sld [smem:$0x3F9D];
	s0 =	simm.s32 @p0 $0x1  }
0x13: {  	[smem:$0x3FB8] =	sst s0;
	s0 =	simm.s32 @!p1 $0x0  }
0x14: {  	s2 =	sld [smem:$0x3F9C];
	s0 =	simm.s32 @p1 $0x1  }
0x15: {  	[smem:$0x3FB9] =	sst s0;
	s0 =	simm.s32 @!p2 $0x0  }
0x16: {  	s3 =	sld [smem:$0x3FDB];
	s0 =	simm.s32 @p2 $0x1  }
0x17: {  	s4 =	simm.s32 $0x1BF5;
	[smem:$0x3FBB] =	sst s0  }
0x18: {  	s0 =	sld [smem:$0x3F9E];
	_ =	swait.ge [sflag:s4], $0x0  }
0x19: {  	s7 =	sld [smem:$0x3F9F]  }
0x1a: {  	s8 =	sadd.s32 $0xFFFFE003, lr  }
0x1b: {  	s9 =	sadd.s32 $0xFFFFFEF7, lr;
	s5 =	simm.s32 $0xFFFFFFFF;
	p2 =	slt.u32 s8, $0xFFFFF086  }
0x1c: {  	p1 =	slt.u32 s9, $0xF7A;
	s5 =	simm.s32 @!p2 $0x0  }
0x1d: {  	s5 =	simm.s32 @p1 $0x1;
	p0 =	seq.s32 s7, s2  }
0x1e: {  	s7 =	smul.u32 @!p0 $0xF7A, s2;
	p2 =	seq.s32 @!p0 s5, $0x0  }
0x1f: {  	s9 =	smul.u32 $0xF7A, s1;
	s8 =	simm.s32 @!p0 $0x1BF5;
	p2 =	por !p2, p0  }
0x20: {  	[sflag:s8] =	ssyncset.s32 @!p0 $0xFFFFF086;
	s6 =	sadd.s32 @!p0 s3, s7;
	s7 =	simm.s32 @!p0 $0x108  }
0x21: {  	s3 =	sadd.s32 s3, s9;
	s6 =	sadd.s32 @!p0 $0x88, s6;
	s7 =	simm.s32 @p2 $0x1082  }
0x22: {  	[simem:s7], [sflag:s8] =	dma.local @!p0 [hbm:s6], $0xF7A  }
0x23: {  	s9 =	sor.u32 $0xD0000000, s2;
	s6 =	simm.s32 $0x108;
	_ =	swait.ge @!p0 [sflag:s8], $0x0  }
0x24: {  	s3 =	sadd.s32 $0x88, s3;
	s6 =	simm.s32 @!p1 $0x1082;
	[sflag:s4] =	ssyncset.s32 $0xFFFFF086  }
0x25: {  	[simem:s6], [sflag:s4] =	dma.local [hbm:s3], $0xF7A  }
0x26: {  	[smem:$0x3F9F] =	sst s1;
	(tag) =	ssettag s2;
	_ =	strace s9  }
0x27: {  	s1 =	sld [smem:$0x3FAF]  }
0x28: {  	s2 =	sld [smem:$0x3FB0]  }
0x29: {  	s4 =	sld [smem:$0x3FB2]  }
0x2a: {  	p0 =	seq.s32 s5, $0x0;
	s5 =	sld [smem:$0x3FB3]  }
0x2b: {  	s6 =	sld [smem:$0x3FB4]  }
0x2c: {  	s7 =	sld [smem:$0x3FB5]  }
0x2d: {  	s3 =	simm.s32 $0x108;
	s8 =	sld [smem:$0x3FB6]  }
0x2e: {  	s3 =	simm.s32 @!p0 $0x1082;
	s9 =	sld [smem:$0x3FB7]  }
0x2f: {  	lr =	sadd.s32 s0, s3;
	s0 =	sld [smem:$0x3FAE]  }
0x30: {  	s3 =	sld [smem:$0x3FB1]  }
0x31: {  	[smem:$0x3FBA] =	sst s10  }
0x32: {  	s10 =	sld [smem:$0x3FB8];
	_ =	sdelay $0x3  }
0x33: {  	p0 =	seq.s32 s10, $0x1;
	s10 =	sld [smem:$0x3FBA];
	_ =	sdelay $0x3  }
0x34: {  	[smem:$0x3FBA] =	sst s10  }
0x35: {  	s10 =	sld [smem:$0x3FB9];
	_ =	sdelay $0x3  }
0x36: {  	p1 =	seq.s32 s10, $0x1;
	s10 =	sld [smem:$0x3FBA];
	_ =	sdelay $0x3  }
0x37: {  	[smem:$0x3FBA] =	sst s10  }
0x38: {  	s10 =	sld [smem:$0x3FBB]  }
0x39: {  	_ = 	snop;
	(pc) =	sbr.ind lr, $3  }
0x3a: {  	_ = 	snop  }
0x3b: {  	_ = 	snop  }
0x3c: {  	p2 =	seq.s32 s10, $0x1;
	s10 =	sld [smem:$0x3FBA]  }
0x3d: {  	_ =	shalt  }
0x3e: {  	_ =	shalt  }
0x3f: {  	_ =	shalt  }
0x40: {  	_ =	shalt  }
0x41: {  	_ =	shalt  }
0x42: {  	_ =	shalt  }
0x43: {  	_ =	shalt  }
0x44: {  	_ =	shalt  }
0x45: {  	_ =	shalt  }
0x46: {  	_ =	shalt  }
0x47: {  	_ =	shalt  }
0x48: {  	_ =	shalt  }
0x49: {  	_ =	shalt  }
0x4a: {  	_ =	shalt  }
0x4b: {  	_ =	shalt  }
0x4c: {  	_ =	shalt  }
0x4d: {  	_ =	shalt  }
0x4e: {  	_ =	shalt  }
0x4f: {  	_ =	shalt  }
0x50: {  	_ =	shalt  }
0x51: {  	_ =	shalt  }
0x52: {  	_ =	shalt  }
0x53: {  	_ =	shalt  }
0x54: {  	_ =	shalt  }
0x55: {  	_ =	shalt  }
0x56: {  	_ =	shalt  }
0x57: {  	_ =	shalt  }
0x58: {  	_ =	shalt  }
0x59: {  	_ =	shalt  }
0x5a: {  	_ =	shalt  }
0x5b: {  	_ =	shalt  }
0x5c: {  	_ =	shalt  }
0x5d: {  	_ =	shalt  }
0x5e: {  	_ =	shalt  }
0x5f: {  	_ =	shalt  }
0x60: {  	_ =	shalt  }
0x61: {  	_ =	shalt  }
0x62: {  	_ =	shalt  }
0x63: {  	_ =	shalt  }
0x64: {  	_ =	shalt  }
0x65: {  	_ =	shalt  }
0x66: {  	_ =	shalt  }
0x67: {  	_ =	shalt  }
0x68: {  	_ =	shalt  }
0x69: {  	_ =	shalt  }
0x6a: {  	_ =	shalt  }
0x6b: {  	_ =	shalt  }
0x6c: {  	_ =	shalt  }
0x6d: {  	_ =	shalt  }
0x6e: {  	_ =	shalt  }
0x6f: {  	_ =	shalt  }
0x70: {  	_ =	shalt  }
0x71: {  	_ =	shalt  }
0x72: {  	_ =	shalt  }
0x73: {  	_ =	shalt  }
0x74: {  	_ =	shalt  }
0x75: {  	_ =	shalt  }
0x76: {  	_ =	shalt  }
0x77: {  	_ =	shalt  }
0x78: {  	_ =	shalt  }
0x79: {  	_ =	shalt  }
0x7a: {  	_ =	shalt  }
0x7b: {  	_ =	shalt  }
0x7c: {  	_ =	shalt  }
0x7d: {  	_ =	shalt  }
0x7e: {  	_ =	shalt  }
0x7f: {  	_ =	shalt  }
0x80: {  	_ =	shalt  }
0x81: {  	_ =	shalt  }
0x82: {  	_ =	shalt  }
0x83: {  	_ =	shalt  }
0x84: {  	_ =	shalt  }
0x85: {  	_ =	shalt  }
0x86: {  	_ =	shalt  }
0x87: {  	_ =	shalt  }
.Lfunc_end0:
.L_simem_size_0:
called_computation_lowered:
.L_overlay_start_0:
0x88: {  	s2 =	sld [smem:$0x3FD9]  }
0x89: {  	s3 =	sld [smem:$0x3FFE];
	_ =	sdelay $0x1  }
0x8a: {  	s1 =	srdreg.scid  }
0x8b: {  	s0 =	sand.u32 $0x1, s1  }
0x8c: {  	s18 =	sshll.u32 s0, $0xA;
	s2 =	sadd.s32 s3, s2  }
0x8d: {  	s2 =	sadd.s32 s2, s18  }
0x8e: {  	[smem:$0x3FC6] =	sst s2  }
0x8f: {  	_ = 	snop  }
0x90: {  	s2 =	sld [smem:$0x3FC9]  }
0x91: {  	s19 =	sld [smem:$0x3FC8]  }
0x92: {  	s4 =	sld [smem:$0x3FD0];
	(tm) =	ssettm $0x1  }
0x93: {  	s5 =	sld [smem:$0x3FFB];
	_ =	sdelay $0x3  }
0x94: {  	_ =	strace s5  }
0x95: {  	s5 =	sld [smem:$0x3FFC];
	_ =	sdelay $0x3  }
0x96: {  	_ =	strace s5  }
0x97: {  	s5 =	sld [smem:$0x3FFD];
	_ =	sdelay $0x3  }
0x98: {  	_ =	strace s5  }
0x99: {  	_ =	strace $0x8FFFFFFF  }
0x9a: {  	s20 =	sld [smem:$0x3FDB];
	_ =	sdelay $0x1  }
0x9b: {  	s6 =	simm.s32 $_scs_section_size  }
0x9c: {  	s7 =	simm.s32 $_size__tile_overlayer_lowered;
	s8 =	simm.s32 $_tile_overlayer_lowered  }
0x9d: {  	s23 =	simm.s32 $0x1BFF;
	s22 =	sshll.u32 s8, $0x1;
	s5 =	sadd.s32 s6, s20  }
0x9e: {  	s9 =	simm.s32 $0x0;
	s21 =	sshll.u32 s7, $0x1;
	s7 =	sadd.s32 s22, s5  }
0x9f: {  	[timem:s9], [sflag:s23] =	dma.local [hbm:s7], s21  }
0xa0: {  	_ =	swait.ge [sflag:s23], s21  }
0xa1: {  	s6 =	ssub.s32 $0x0, s21;
	[sflag:s23] =	ssyncset.done $0x0  }
0xa2: {  	[sflag:s23] =	ssyncadd.s32 s6;
	_ =	sdelay $0x1  }
0xa3: {  	s24 =	simm.s32 $0x1B8B  }
0xa4: {  	_ =	swait.ge [sflag:s24], $0x1  }
0xa5: {  	[sflag:s24] =	ssyncset.done $0x0  }
0xa6: {  	s25 =	simm.s32 $0x1B8E;
	[sflag:s24] =	ssyncadd.s32 $0xFFFFFFFF  }
0xa7: {  	s26 =	simm.s32 $execute0_lowered;
	[smem:$0x3FD2] =	sst s25  }
0xa8: {  	s6 =	sshll.u32 s26, $0x1;
	_ =	strace $0x80000046;
	[dreg:$0x1] =	wrdreg $0xFFFFFFFF  }
0xa9: {  	s28 =	simm.s32 $_size_execute0_lowered;
	s5 =	sadd.s32 s5, s6;
	[dreg:$0x0] =	wrdreg $0x0  }
0xaa: {  	s6 =	sshll.u32 s28, $0x1;
	[dreg:$0x2] =	wrdreg s5  }
0xab: {  	[dreg:$0x3] =	wrdreg s6  }
0xac: {  	[dreg:$0x4] =	wrdreg $0xC0  }
0xad: {  	_ =	task [dreg:s9], $0x5FFFF  }
0xae: {  	[dreg:$0x1] =	wrdreg $0xFFFFFFFF  }
0xaf: {  	[dreg:$0x0] =	wrdreg $0x60  }
0xb0: {  	[dreg:$0x2] =	wrdreg s2  }
0xb1: {  	[dreg:$0x3] =	wrdreg s19  }
0xb2: {  	[dreg:$0x4] =	wrdreg s4  }
0xb3: {  	[dreg:$0x5] =	wrdreg $0x1E7000  }
0xb4: {  	[dreg:$0x6] =	wrdreg $0x9  }
0xb5: {  	_ =	task.clear_ibuf [dreg:s9], $0x7FFFF;
	_ =	strace $0x90000046  }
0xb6: {  	s29 =	simm.s32 $0x9;
	_ =	strace $0x80000048  }
0xb7: {  	_ =	swait.ge [sflag:s29], $0x1  }
0xb8: {  	[sflag:s29] =	ssyncadd.s32 $0xFFFFFFFF  }
0xb9: {  	_ =	strace $0x90000048  }
0xba: {  	_ =	sfence  }
0xbb: {  	s30 =	sld [smem:$0x0];
	_ =	sdelay $0x2  }
0xbc: {  	s31 =	sshll.u32 s1, $0xD;
	s1 =	sshrl.u32 s1, $0x2  }
0xbd: {  	s3 =	sand.u32 $0x4000, s31;
	s1 =	sadd.s32 s1, s30  }
0xbe: {  	s0 =	sor.u32 s3, s0;
	s1 =	sshll.u32 s1, $0x11  }
0xbf: {  	s0 =	sor.u32 s1, s0  }
0xc0: {  	s0 =	sadd.s32 $0x8F2B, s0  }
0xc1: {  	[sflag:s0] =	ssyncadd.remote.s32 $0x1  }
0xc2: {  	_ =	sfence.sel $0xFFFF  }
0xc3: {  	[dreg:$0x0] =	wrdreg $0xFFFFFFFF;
	(pc) =	sbr.abs _section_cstart, $3  }
0xc4: {  	[dreg:$0x1] =	wrdreg $0xFFFFFFFF  }
0xc5: {  	_ =	task.clear_ibuf [dreg:s9], $0x2FFFF;
	_ =	strace $0x9FFFFFFF  }
0xc6: {  	(tm) =	ssettm $0x7FFFFFFF  }
0xc7: {  	_ =	shalt  }
tec
execute0_lowered:
.L_overlay_start_1:
0x0: {  	(tag) =	ssettag $0x1  }
0x1: {  	s0 =	rddreg [dreg:$0x0]  }
0x2: {  	s26 =	rddreg [dreg:$0x1]  }
0x3: {  	s2 =	srdreg.scid;
	s1 =	stileid.u32  }
0x4: {  	s3 =	rddreg [dreg:$0x3];
	s5 =	simm.s32 $0x0;
	s19 =	simm.s32 $0x1  }
0x5: {  	s2 =	sand.u32 $0x1, s2;
	s4 =	sshll.u32 s1, $0x1;
	s7 =	smul.u32 $0x1860, s1  }
0x6: {  	[smem:$0x7FF] =	sst s5;
	s10 =	smul.u32 $0x61A80, s1;
	s25 =	sadd.s32 $0x18600, s3  }
0x7: {  	p1 =	sne.s32 s1, $0xF;
	s1 =	simm.s32 $0x0;
	s4 =	sor.u32 s2, s4  }
0x8: {  	_ =	strace $0x80000047;
	s21 =	ssub.s32 $0x2, s2;
	s2 =	smul.u32 $0x30D40, s2  }
0x9: {  	[dreg:$0xc] =	wrdreg s25;
	s11 =	sshrl.u32 s7, $0x3;
	s7 =	sadd.s32 s7, s3  }
0xa: {  	s6 =	smul.u32 $0x30D40, s4;
	s23 =	sadd.s32 s0, s11;
	[dreg:$0xa] =	wrdreg s7  }
0xb: {  	s8 =	sshrl.u32 s21, $0x1;
	s0 =	sadd.s32 $0x30C0, s0;
	[dreg:$0x9] =	wrdreg s23  }
0xc: {  	s4 =	ssub.s32 s21, s8;
	s24 =	sadd.s32 s2, s10;
	[dreg:$0xb] =	wrdreg s0  }
0xd: {  	s9 =	sshrl.u32 s6, $0x2;
	s28 =	sadd.s32 $0x1F40, s6;
	[dreg:$0x7] =	wrdreg s6  }
0xe: {  	s29 =	sshrl.u32 s24, $0x6;
	s30 =	smax.u32 s4, $0x1;
	[dreg:$0xd] =	wrdreg s28  }
0xf: {  	s0 =	sadd.s32 $0xFA0, s24;
	s31 =	sadd.s32 $0xFA0, s6;
	[dreg:$0xe] =	wrdreg s30  }
0x10: {  	s9 =	sand.u32 $0x1FFFE0, s9;
	[dreg:$0xf] =	wrdreg s31;
	s0 =	sshrl.u32 s0, $0x5  }
0x11: {  	s2 =	sand.u32 $0x1, s29;
	s22 =	sadd.s32 s26, s9;
	[dreg:$0x10] =	wrdreg s0  }
0x12: {  	s3 =	simm.s32 $0x5;
	p0 =	seq.s32 s2, $0x1;
	[dreg:$0x8] =	wrdreg s22  }
.LBB2_1:
0x13: {  	[dreg:$0x11] =	wrdreg s1  }
0x14: {  	s0 =	rddreg [dreg:$0x8];
	s30 =	simm.s32 $0x18700  }
0x15: {  	[tilespmem:s30], [sflag:$0x1] =	stream.linear.gather [hbm4b:s0+s5], $0x2000, $0x38;
	[tilespmem:$0x1FF70] =	vst v63  }
0x16: {  	s31 =	rddreg [dreg:$0x9]  }
0x17: {  	[tilespmem:s5], [sflag:$0x5] =	stream.linear.gather [hbm4b:s31+s5], $0x1860, $0x38;
	[tilespmem:$0x1FF70] =	vst v63  }
0x18: {  	_ =	swait.ge [sflag:s3], $0x1860  }
0x19: {  	[sflag:s3] =	ssyncset.done $0x0  }
0x1a: {  	s0 =	simm.s32 $0x20;
	[sflag:s3] =	ssyncadd.s32 $0xFFFFE7A0  }
0x1b: {  	v0 =	vld [tilespmem:s0+$0x10]  }
0x1c: {  	v1 =	vld [tilespmem:s0+$0xFFFFFFF0]  }
0x1d: {  	v2 =	vld [tilespmem:s0+$0x0]  }
0x1e: {  	v3 =	vld [tilespmem:s0+$0xFFFFFFE0];
	_ =	sdelay $0x1  }
0x1f: {  	v0 =	vsub.f32 $0.0e+00, v0  }
0x20: {  	s2 =	simm.s32 $0x60;
	v1 =	vsub.f32 $0.0e+00, v1  }
0x21: {  	v5 =	vld [tilespmem:s2+$0xFFFFFFF0];
	v2 =	vsub.f32 $0.0e+00, v2;
	v0 =	vmul.f32 $1.442695020e+00, v0  }
0x22: {  	v4 =	vld [tilespmem:s2+$0x10];
	v3 =	vsub.f32 $0.0e+00, v3;
	v1 =	vmul.f32 $1.442695020e+00, v1  }
0x23: {  	v2 =	vmul.f32 $1.442695020e+00, v2;
	(erf) = vpow2.f32 v0  }
0x24: {  	v3 =	vmul.f32 $1.442695020e+00, v3;
	v0 =	vld [tilespmem:s2+$0x0];
	(erf) = vpow2.f32 v1  }
0x25: {  	v1 =	vld [tilespmem:s2+$0xFFFFFFE0];
	(erf) = vpow2.f32 v2  }
0x26: {  	(erf) = vpow2.f32 v3;
	v3 =	vsub.f32 $0.0e+00, v5  }
0x27: {  	v2 =	vsub.f32 $0.0e+00, v4  }
0x28: {  	v3 =	vmul.f32 $1.442695020e+00, v3  }
0x29: {  	s10 =	simm.s32 $0xA0;
	v2 =	vmul.f32 $1.442695020e+00, v2;
	v0 =	vsub.f32 $0.0e+00, v0  }
0x2a: {  	v4 =	vld [tilespmem:s10+$0x10];
	v1 =	vsub.f32 $0.0e+00, v1  }
0x2b: {  	v5 =	vld [tilespmem:s10+$0xFFFFFFF0];
	(erf) = vpow2.f32 v2;
	v0 =	vmul.f32 $1.442695020e+00, v0  }
0x2c: {  	v2 =	vld [tilespmem:s10+$0x0];
	(erf) = vpow2.f32 v3;
	v1 =	vmul.f32 $1.442695020e+00, v1;
	v3 =	vpop (erf)  }
0x2d: {  	v6 =	vld [tilespmem:s10+$0xFFFFFFE0];
	(erf) = vpow2.f32 v0;
	v0 =	vadd.f32 $1.000000000e+00, v3;
	v3 =	vpop (erf)  }
0x2e: {  	(erf) = vpow2.f32 v1;
	v1 =	vadd.f32 $1.000000000e+00, v3;
	v3 =	vpop (erf)  }
0x2f: {  	v4 =	vsub.f32 $0.0e+00, v4;
	v3 =	vadd.f32 $1.000000000e+00, v3;
	v7 =	vpop (erf)  }
0x30: {  	(erf) = vrcp.f32 v0;
	v0 =	vsub.f32 $0.0e+00, v5;
	v5 =	vadd.f32 $1.000000000e+00, v7  }
0x31: {  	(erf) = vrcp.f32 v1;
	v1 =	vsub.f32 $0.0e+00, v2;
	v2 =	vmul.f32 $1.442695020e+00, v4  }
0x32: {  	v4 =	vsub.f32 $0.0e+00, v6;
	(erf) = vrcp.f32 v3;
	v0 =	vmul.f32 $1.442695020e+00, v0  }
0x33: {  	s4 =	simm.s32 $0xE0;
	(erf) = vrcp.f32 v5;
	v1 =	vmul.f32 $1.442695020e+00, v1  }
0x34: {  	v3 =	vld [tilespmem:s4+$0x10];
	(erf) = vpow2.f32 v2;
	v2 =	vmul.f32 $1.442695020e+00, v4;
	_ =	sdelay $0x1  }
0x35: {  	(erf) = vpow2.f32 v0;
	v0 =	vpop (erf)  }
0x36: {  	(erf) = vpow2.f32 v1;
	v0 =	vadd.f32 $1.000000000e+00, v0;
	v1 =	vpop (erf)  }
0x37: {  	v5 =	vld [tilespmem:s4+$0xFFFFFFF0];
	(erf) = vpow2.f32 v2;
	v1 =	vadd.f32 $1.000000000e+00, v1;
	v2 =	vpop (erf)  }
0x38: {  	v6 =	vld [tilespmem:s4+$0x0];
	v7 =	vsub.f32 $0.0e+00, v3;
	v3 =	vpop (erf);
	(erf) = vrcp.f32 v0  }
0x39: {  	(erf) = vrcp.f32 v1;
	v1 =	vld [tilespmem:s4+$0xFFFFFFE0]  }
0x3a: {  	v8 =	vadd.f32 $1.000000000e+00, v2;
	_ =	sdelay $0x1  }
0x3b: {  	v2 =	vsub.f32 $0.0e+00, v5;
	v3 =	vadd.f32 $1.000000000e+00, v3;
	v0 =	vpop (erf);
	(erf) = vrcp.f32 v8  }
0x3c: {  	s7 =	simm.s32 $0xC0;
	s8 =	simm.s32 $0x120;
	v4 =	vsub.f32 $0.0e+00, v6;
	v5 =	vmul.f32 $1.442695020e+00, v7;
	[tilespmem:s0+$0x10] =	vst v0;
	v0 =	vpop (erf)  }
.LBB2_2:
0x3d: {  	v6 =	vld [tilespmem:s8+$0x10];
	s7 =	sadd.s32 $0x40, s7;
	v1 =	vsub.f32 $0.0e+00, v1;
	v8 =	vmul.f32 $1.442695020e+00, v2;
	(erf) = vrcp.f32 v3;
	[tilespmem:s0+$0xFFFFFFF0] =	vst v0;
	v0 =	vpop (erf)  }
0x3e: {  	v3 =	vld [tilespmem:s8+$0xFFFFFFF0];
	p2 =	slt.u32 s7, $0x1800;
	v4 =	vmul.f32 $1.442695020e+00, v4;
	(erf) = vpow2.f32 v5;
	[tilespmem:s0+$0x0] =	vst v0;
	v0 =	vpop (erf)  }
0x3f: {  	v5 =	vld [tilespmem:s8+$0x0];
	v7 =	vmul.f32 $1.442695020e+00, v1;
	(erf) = vpow2.f32 v8;
	v2 =	vpop (erf);
	[tilespmem:s0+$0xFFFFFFE0] =	vst v0;
	s0 =	smov.u32 s2;
	s2 =	smov.u32 s10;
	s10 =	smov.u32 s4  }
.Ltmp0:
0x40: {  	s4 =	smov.u32 s8;
	v1 =	vld [tilespmem:s8+$0xFFFFFFE0];
	(erf) = vpow2.f32 v4;
	v9 =	vadd.f32 $1.000000000e+00, v2;
	v2 =	vpop (erf);
	(pc) =	sbr.rel @p2 .LBB2_2-.Ltmp0, $4  }
0x41: {  	(erf) = vpow2.f32 v7;
	v4 =	vadd.f32 $1.000000000e+00, v2;
	v2 =	vpop (erf)  }
0x42: {  	v6 =	vsub.f32 $0.0e+00, v6;
	v7 =	vadd.f32 $1.000000000e+00, v2;
	v8 =	vpop (erf);
	(erf) = vrcp.f32 v9  }
0x43: {  	v2 =	vsub.f32 $0.0e+00, v3;
	v3 =	vadd.f32 $1.000000000e+00, v8;
	(erf) = vrcp.f32 v4;
	v0 =	vpop (erf)  }
0x44: {  	s8 =	sadd.s32 $0x40, s8;
	v4 =	vsub.f32 $0.0e+00, v5;
	v5 =	vmul.f32 $1.442695020e+00, v6;
	(erf) = vrcp.f32 v7;
	[tilespmem:s0+$0x10] =	vst v0;
	v0 =	vpop (erf)  }
0x45: {  	v1 =	vsub.f32 $0.0e+00, v1;
	v2 =	vmul.f32 $1.442695020e+00, v2;
	(erf) = vrcp.f32 v3;
	v42 =	vpop (erf)  }
0x46: {  	v4 =	vmul.f32 $1.442695020e+00, v4;
	(erf) = vpow2.f32 v5;
	v43 =	vpop (erf)  }
0x47: {  	v1 =	vmul.f32 $1.442695020e+00, v1;
	(erf) = vpow2.f32 v2;
	v44 =	vpop (erf)  }
0x48: {  	(erf) = vpow2.f32 v4;
	v45 =	vpop (erf)  }
0x49: {  	(erf) = vpow2.f32 v1;
	v46 =	vpop (erf)  }
0x4a: {  	v6 =	vpop (erf)  }
0x4b: {  	v7 =	vpop (erf)  }
0x4c: {  	v2 =	vadd.f32 $1.000000000e+00, v44;
	v8 =	vpop (erf)  }
0x4d: {  	v4 =	vadd.f32 $1.000000000e+00, v45;
	v9 =	vpop (erf)  }
0x4e: {  	v1 =	vadd.f32 $1.000000000e+00, v46;
	(erf) = vrcp.f32 v2;
	v47 =	vpop (erf)  }
0x4f: {  	v6 =	vadd.f32 $1.000000000e+00, v6;
	(erf) = vrcp.f32 v4;
	v48 =	vpop (erf)  }
0x50: {  	(erf) = vrcp.f32 v1;
	v49 =	vadd.f32 $1.000000000e+00, v48;
	v50 =	vpop (erf)  }
0x51: {  	[tilespmem:s0+$0xFFFFFFF0] =	vst v0;
	(erf) = vrcp.f32 v6;
	v51 =	vadd.f32 $1.000000000e+00, v50;
	v52 =	vpop (erf)  }
0x52: {  	[tilespmem:s0+$0x0] =	vst v42;
	v53 =	vadd.f32 $1.000000000e+00, v52;
	(erf) = vrcp.f32 v49;
	v54 =	vpop (erf)  }
0x53: {  	[tilespmem:s0+$0xFFFFFFE0] =	vst v43;
	(erf) = vrcp.f32 v51;
	v55 =	vadd.f32 $1.000000000e+00, v54  }
0x54: {  	[tilespmem:s2+$0x10] =	vst v7;
	(erf) = vrcp.f32 v53  }
0x55: {  	[tilespmem:s2+$0xFFFFFFF0] =	vst v8;
	(erf) = vrcp.f32 v55  }
0x56: {  	[tilespmem:s2+$0x0] =	vst v9  }
0x57: {  	[tilespmem:s2+$0xFFFFFFE0] =	vst v47;
	v56 =	vpop (erf)  }
0x58: {  	[tilespmem:s10+$0x10] =	vst v56;
	v57 =	vpop (erf)  }
0x59: {  	[tilespmem:s10+$0xFFFFFFF0] =	vst v57;
	v58 =	vpop (erf)  }
0x5a: {  	[tilespmem:s10+$0x0] =	vst v58;
	v59 =	vpop (erf)  }
0x5b: {  	[tilespmem:s10+$0xFFFFFFE0] =	vst v59;
	v60 =	vpop (erf)  }
0x5c: {  	[tilespmem:s4+$0x10] =	vst v60;
	v61 =	vpop (erf)  }
0x5d: {  	[tilespmem:s4+$0xFFFFFFF0] =	vst v61;
	v62 =	vpop (erf)  }
0x5e: {  	[tilespmem:s4+$0x0] =	vst v62;
	v63 =	vpop (erf)  }
0x5f: {  	s0 =	simm.s32 $0x1830;
	s2 =	simm.s32 $0x1840;
	[tilespmem:s4+$0xFFFFFFE0] =	vst v63  }
.LBB2_4:
0x60: {  	v0 =	vld [tilespmem:s2+$0x0];
	_ =	sdelay $0x4  }
0x61: {  	v0 =	vsub.f32 $0.0e+00, v0;
	_ =	sdelay $0x1  }
0x62: {  	v0 =	vmul.f32 $1.442695020e+00, v0;
	_ =	sdelay $0x1  }
0x63: {  	(erf) = vpow2.f32 v0;
	_ =	sdelay $0x8  }
0x64: {  	v0 =	vpop (erf)  }
0x65: {  	v0 =	vadd.f32 $1.000000000e+00, v0;
	_ =	sdelay $0x1  }
0x66: {  	(erf) = vrcp.f32 v0;
	_ =	sdelay $0x3  }
0x67: {  	s0 =	sadd.s32 $0x10, s0  }
0x68: {  	p2 =	slt.u32 s0, $0x1850  }
.Ltmp1:
0x69: {  	_ = 	snop;
	(pc) =	sbr.rel @p2 .LBB2_4-.Ltmp1, $3  }
0x6a: {  	_ =	sdelay $0x1  }
0x6b: {  	v0 =	vpop (erf)  }
0x6c: {  	[tilespmem:s2+$0x0] =	vst v0;
	s2 =	sadd.s32 $0x10, s2  }
.Ltmp2:
0x6d: {  	s0 =	rddreg [dreg:$0xa];
	(pc) =	sbr.rel @p1 .LBB2_9-.Ltmp2, $4  }
0x6e: {  	[spmem:s0] =	stream.linear.scatter [tilespmem:s5], [sflag:$0x5], $0x1860, $0x38;
	[tilespmem:$0x1FF70] =	vst v63  }
0x6f: {  	_ =	swait.ge [sflag:s3], $0x1860  }
0x70: {  	[sflag:s3] =	ssyncset.done $0x0  }
0x71: {  	[sflag:s3] =	ssyncadd.s32 $0xFFFFE7A0  }
0x72: {  	s0 =	rddreg [dreg:$0xb];
	s1 =	simm.s32 $0x1860  }
0x73: {  	[tilespmem:s1], [sflag:$0x5] =	stream.linear.gather [hbm4b:s0+s5], $0xA0, $0x38;
	[tilespmem:$0x1FF70] =	vst v63  }
0x74: {  	_ =	swait.ge [sflag:s3], $0xA0  }
0x75: {  	[sflag:s3] =	ssyncset.done $0x0  }
0x76: {  	s0 =	simm.s32 $0x1870;
	[sflag:s3] =	ssyncadd.s32 $0xFFFFFF60  }
0x77: {  	v0 =	vld [tilespmem:s0+$0x0]  }
0x78: {  	v1 =	vld [tilespmem:s0+$0xFFFFFFF0];
	_ =	sdelay $0x1  }
0x79: {  	s2 =	simm.s32 $0x1890  }
0x7a: {  	v2 =	vld [tilespmem:s2+$0x0]  }
0x7b: {  	v3 =	vld [tilespmem:s2+$0xFFFFFFF0];
	v0 =	vsub.f32 $0.0e+00, v0  }
0x7c: {  	v1 =	vsub.f32 $0.0e+00, v1  }
0x7d: {  	v0 =	vmul.f32 $1.442695020e+00, v0  }
0x7e: {  	v1 =	vmul.f32 $1.442695020e+00, v1  }
0x7f: {  	(erf) = vpow2.f32 v0;
	v0 =	vsub.f32 $0.0e+00, v2  }
0x80: {  	(erf) = vpow2.f32 v1;
	v1 =	vsub.f32 $0.0e+00, v3  }
0x81: {  	v0 =	vmul.f32 $1.442695020e+00, v0  }
0x82: {  	s4 =	simm.s32 $0x18B0;
	v1 =	vmul.f32 $1.442695020e+00, v1  }
0x83: {  	(erf) = vpow2.f32 v0;
	v0 =	vld [tilespmem:s4+$0x0]  }
0x84: {  	(erf) = vpow2.f32 v1;
	v1 =	vld [tilespmem:s4+$0xFFFFFFF0];
	_ =	sdelay $0x3  }
0x85: {  	s7 =	simm.s32 $0x18D0;
	v2 =	vpop (erf);
	v0 =	vsub.f32 $0.0e+00, v0  }
0x86: {  	v3 =	vld [tilespmem:s7+$0x0];
	v2 =	vadd.f32 $1.000000000e+00, v2;
	v4 =	vpop (erf);
	v1 =	vsub.f32 $0.0e+00, v1  }
0x87: {  	v4 =	vadd.f32 $1.000000000e+00, v4  }
0x88: {  	v0 =	vmul.f32 $1.442695020e+00, v0;
	(erf) = vrcp.f32 v2  }
0x89: {  	v5 =	vld [tilespmem:s7+$0xFFFFFFF0];
	v2 =	vmul.f32 $1.442695020e+00, v1;
	(erf) = vrcp.f32 v4  }
0x8a: {  	v1 =	vpop (erf);
	(erf) = vpow2.f32 v0  }
0x8b: {  	v0 =	vsub.f32 $0.0e+00, v3;
	v3 =	vpop (erf);
	(erf) = vpow2.f32 v2;
	_ =	sdelay $0x1  }
0x8c: {  	v1 =	vadd.f32 $1.000000000e+00, v1  }
0x8d: {  	s8 =	simm.s32 $0x18C0;
	s9 =	simm.s32 $0x18F0;
	v2 =	vsub.f32 $0.0e+00, v5;
	v3 =	vadd.f32 $1.000000000e+00, v3  }
.LBB2_7:
0x8e: {  	v4 =	vld [tilespmem:s9+$0x0];
	s8 =	sadd.s32 $0x20, s8;
	v6 =	vmul.f32 $1.442695020e+00, v0;
	(erf) = vrcp.f32 v1  }
0x8f: {  	v5 =	vld [tilespmem:s9+$0xFFFFFFF0];
	p2 =	slt.u32 s8, $0x18E0;
	v2 =	vmul.f32 $1.442695020e+00, v2;
	(erf) = vrcp.f32 v3  }
.Ltmp3:
0x90: {  	(erf) = vpow2.f32 v6;
	v0 =	vpop (erf);
	(pc) =	sbr.rel @p2 .LBB2_7-.Ltmp3, $4  }
0x91: {  	(erf) = vpow2.f32 v2;
	[tilespmem:s0+$0x0] =	vst v0;
	v0 =	vpop (erf)  }
0x92: {  	v1 =	vpop (erf);
	[tilespmem:s0+$0xFFFFFFF0] =	vst v0;
	s0 =	smov.u32 s2;
	s2 =	smov.u32 s4;
	s4 =	smov.u32 s7  }
0x93: {  	s7 =	smov.u32 s9;
	v0 =	vsub.f32 $0.0e+00, v4;
	v1 =	vadd.f32 $1.000000000e+00, v1;
	v3 =	vpop (erf)  }
0x94: {  	s9 =	sadd.s32 $0x20, s9;
	v2 =	vsub.f32 $0.0e+00, v5;
	v3 =	vadd.f32 $1.000000000e+00, v3  }
0x95: {  	v0 =	vmul.f32 $1.442695020e+00, v0;
	(erf) = vrcp.f32 v1  }
0x96: {  	v52 =	vmul.f32 $1.442695020e+00, v2;
	(erf) = vrcp.f32 v3  }
0x97: {  	(erf) = vpow2.f32 v0  }
0x98: {  	(erf) = vpow2.f32 v52;
	_ =	sdelay $0x1  }
0x99: {  	v53 =	vpop (erf)  }
0x9a: {  	v54 =	vpop (erf)  }
0x9b: {  	v55 =	vpop (erf)  }
0x9c: {  	v56 =	vpop (erf)  }
0x9d: {  	v4 =	vpop (erf)  }
0x9e: {  	v2 =	vadd.f32 $1.000000000e+00, v55;
	v5 =	vpop (erf)  }
0x9f: {  	v3 =	vadd.f32 $1.000000000e+00, v56;
	v6 =	vpop (erf)  }
0xa0: {  	(erf) = vrcp.f32 v2;
	v57 =	vadd.f32 $1.000000000e+00, v6;
	v58 =	vpop (erf)  }
0xa1: {  	(erf) = vrcp.f32 v3;
	v59 =	vadd.f32 $1.000000000e+00, v58  }
0xa2: {  	(erf) = vrcp.f32 v57  }
0xa3: {  	(erf) = vrcp.f32 v59;
	_ =	sdelay $0x2  }
0xa4: {  	[tilespmem:s0+$0x0] =	vst v53  }
0xa5: {  	[tilespmem:s0+$0xFFFFFFF0] =	vst v54  }
0xa6: {  	[tilespmem:s2+$0x0] =	vst v4  }
0xa7: {  	[tilespmem:s2+$0xFFFFFFF0] =	vst v5;
	v60 =	vpop (erf)  }
0xa8: {  	[tilespmem:s4+$0x0] =	vst v60;
	v61 =	vpop (erf)  }
0xa9: {  	[tilespmem:s4+$0xFFFFFFF0] =	vst v61;
	v62 =	vpop (erf)  }
0xaa: {  	[tilespmem:s7+$0x0] =	vst v62;
	v63 =	vpop (erf)  }
0xab: {  	[tilespmem:s7+$0xFFFFFFF0] =	vst v63  }
0xac: {  	s1 =	simm.s32 $0x1860;
	s0 =	rddreg [dreg:$0xc]  }
0xad: {  	[spmem:s0] =	stream.linear.scatter [tilespmem:s1], [sflag:$0x5], $0xA0, $0x38;
	[tilespmem:$0x1FF70] =	vst v63  }
0xae: {  	_ =	swait.ge [sflag:s3], $0xA0  }
0xaf: {  	[sflag:s3] =	ssyncset.done $0x0  }
0xb0: {  	[sflag:s3] =	ssyncadd.s32 $0xFFFFFF60  }
.LBB2_9:
0xb1: {  	[bflag:$0x0] =	sbarrier.arrive $0xFFFF  }
0xb2: {  	s28 =	simm.s32 $0x0;
	s0 =	rddreg [dreg:$0x3]  }
0xb3: {  	[tilespmem:s28], [sflag:$0x5] =	stream.linear.gather [spmem:s0], $0x18700, $0x38;
	[tilespmem:$0x1FF70] =	vst v63  }
0xb4: {  	_ =	swait.ge [sflag:s3], $0x18700  }
0xb5: {  	[sflag:s3] =	ssyncset.done $0x0  }
0xb6: {  	p2 =	por p0, p0;
	s29 =	rddreg [dreg:$0x10];
	[sflag:s3] =	ssyncadd.s32 $0xFFFE7900  }
.LBB2_10:
0xb7: {  	s0 =	smul.u32 $0x1F40, s28  }
0xb8: {  	s1 =	rddreg [dreg:$0xf]  }
0xb9: {  	s2 =	sand.u32 $0x3, s29;
	s4 =	simm.s32 $0x1;
	s30 =	sadd.s32 s1, s0  }
0xba: {  	s7 =	sshll.u32 s2, $0x5;
	s4 =	simm.s32 @!p2 $0x0;
	s8 =	sshrl.u32 s30, $0x2  }
0xbb: {  	[dreg:$0x6] =	wrdreg s7;
	s6 =	sshll.u32 s4, $0x6;
	s8 =	sand.u32 $0x1FFFFFE0, s8  }
0xbc: {  	s10 =	simm.s32 $0x1A700;
	[dreg:$0x5] =	wrdreg s6;
	s9 =	sadd.s32 s26, s8  }
0xbd: {  	[tilespmem:s10], [sflag:$0x2] =	stream.linear.gather [hbm4b:s9+s5], $0x2000, $0x38;
	[tilespmem:$0x1FF70] =	vst v63  }
0xbe: {  	_ =	swait.ge [sflag:s19], $0x2000  }
0xbf: {  	p3 =	seq.s32 s28, $0x0;
	[sflag:s19] =	ssyncset.done $0x0  }
0xc0: {  	s8 =	simm.s32 @!p3 $0x3;
	[sflag:s19] =	ssyncadd.s32 $0xFFFFE000  }
0xc1: {  	s4 =	sshll.u32 s4, $0x7;
	_ =	swait.ge @!p3 [sflag:s8], $0xFA0  }
0xc2: {  	s4 =	sor.u32 $0x120, s4;
	s11 =	rddreg [dreg:$0x5]  }
0xc3: {  	s14 =	sadd.s32 $0xFFFFFF20, s4;
	s16 =	sadd.s32 $0xFFFFFEE0, s4;
	s7 =	sadd.s32 $0xFFFFFF60, s11  }
0xc4: {  	s17 =	sand.u32 $0x7F00, s4;
	s10 =	sadd.s32 $0xFFFFFF00, s4;
	s9 =	sadd.s32 $0xB0, s7  }
0xc5: {  	s13 =	sand.u32 $0x3F00, s10;
	[sflag:s8] =	ssyncset.done @!p3 $0x0;
	s12 =	sand.u32 $0x70, s9  }
0xc6: {  	[sflag:s8] =	ssyncadd.s32 @!p3 $0xFFFFF060;
	s8 =	sor.u32 s12, s13;
	s13 =	sadd.s32 $0xA0, s7  }
0xc7: {  	s9 =	sand.u32 $0x3F00, s16;
	s15 =	sadd.s32 $0x18700, s8;
	s13 =	sand.u32 $0x60, s13;
	v1 =	vld [tilespmem:s8+$0x18700]  }
0xc8: {  	s20 =	sadd.s32 $0xFFFFFFA0, s4;
	s18 =	sadd.s32 $0x130, s7;
	v0 =	vld [tilespmem:s15+$0x80];
	s9 =	sor.u32 s13, s9  }
0xc9: {  	s23 =	sadd.s32 $0x100, s7;
	s13 =	sand.u32 $0x70, s18;
	v17 =	vld [tilespmem:s9+$0x18700];
	s9 =	sadd.s32 $0x18700, s9  }
0xca: {  	s8 =	sand.u32 $0x7F00, s20;
	s15 =	sand.u32 $0x60, s23;
	s13 =	sor.u32 s13, s17;
	v7 =	vld [tilespmem:s9+$0x80]  }
0xcb: {  	s10 =	sand.u32 $0x7F00, s14;
	s8 =	sor.u32 s15, s8;
	v2 =	vld [tilespmem:s13+$0x18700]  }
0xcc: {  	s11 =	sadd.s32 $0xFFFFFFE0, s4;
	s25 =	sadd.s32 $0xC0, s7;
	s13 =	sadd.s32 $0x18700, s13;
	v5 =	vld [tilespmem:s8+$0x18700]  }
0xcd: {  	s3 =	sadd.s32 $0x120, s7;
	s15 =	sand.u32 $0x60, s25;
	s8 =	sadd.s32 $0x18700, s8;
	v3 =	vld [tilespmem:s13+$0x80]  }
0xce: {  	s11 =	sand.u32 $0x7F00, s11;
	s10 =	sor.u32 s15, s10;
	s15 =	sand.u32 $0x60, s3;
	v10 =	vld [tilespmem:s8+$0x80]  }
0xcf: {  	s21 =	sadd.s32 $0xFFFFFF80, s4;
	s24 =	sadd.s32 $0xF0, s7;
	v11 =	vld [tilespmem:s10+$0x18700];
	s11 =	sor.u32 s15, s11  }
0xd0: {  	s9 =	sand.u32 $0x7F00, s21;
	s13 =	sand.u32 $0x70, s24;
	s17 =	sadd.s32 $0x18700, s10;
	v16 =	vld [tilespmem:s11+$0x18700]  }
0xd1: {  	s22 =	smov.u32 s26;
	s9 =	sor.u32 s13, s9;
	v14 =	vld [tilespmem:s17+$0x80]  }
0xd2: {  	s26 =	sadd.s32 $0xFFFFFFC0, s4;
	s1 =	sadd.s32 $0x110, s7;
	s12 =	sadd.s32 $0x18700, s11;
	v8 =	vld [tilespmem:s9+$0x18700]  }
0xd3: {  	s8 =	sand.u32 $0x70, s1;
	s13 =	sand.u32 $0x7F00, s26;
	s9 =	sadd.s32 $0x18700, s9;
	v9 =	vld [tilespmem:s12+$0x80]  }
0xd4: {  	s14 =	sadd.s32 $0xE0, s7;
	s6 =	sor.u32 s8, s13;
	s13 =	sadd.s32 $0xFFFFFF60, s4;
	v12 =	vld [tilespmem:s9+$0x80]  }
0xd5: {  	s16 =	sand.u32 $0x60, s14;
	v6 =	vld [tilespmem:s6+$0x18700];
	s15 =	sand.u32 $0x7F00, s13  }
0xd6: {  	s8 =	sor.u32 s16, s15;
	v1 =	vld.idx.msk [tilespmem:v1+s5+$0x0], $0xffff  }
0xd7: {  	v18 =	vld [tilespmem:s8+$0x18700];
	s8 =	sadd.s32 $0x18700, s8  }
0xd8: {  	v15 =	vld [tilespmem:s8+$0x80]  }
0xd9: {  	v17 =	vld.idx.msk [tilespmem:v17+s5+$0x0], $0xffff  }
0xda: {  	v2 =	vld.idx.msk [tilespmem:v2+s5+$0x0], $0xffff  }
0xdb: {  	v5 =	vld.idx.msk [tilespmem:v5+s5+$0x0], $0xffff  }
0xdc: {  	v13 =	vld.idx.msk [tilespmem:v7+s5+$0x0], $0xffff  }
0xdd: {  	s7 =	sadd.s32 $0xD0, s7;
	s18 =	sadd.s32 $0xFFFFFF40, s4;
	v4 =	vld.idx.msk [tilespmem:v3+s5+$0x0], $0xffff  }
0xde: {  	s7 =	sand.u32 $0x70, s7;
	s20 =	sand.u32 $0x7F00, s18;
	v3 =	vld.idx.msk [tilespmem:v11+s5+$0x0], $0xffff  }
0xdf: {  	s2 =	sshll.u32 s2, $0x6;
	s8 =	sor.u32 s7, s20;
	v10 =	vld.idx.msk [tilespmem:v10+s5+$0x0], $0xffff  }
0xe0: {  	s31 =	sor.u32 $0x120, s2;
	s7 =	sadd.s32 $0x18700, s8;
	v7 =	vld.idx.msk [tilespmem:v16+s5+$0x0], $0xffff  }
0xe1: {  	s2 =	sshll.u32 s28, $0x1;
	s23 =	simm.s32 $0x80;
	s21 =	rddreg [dreg:$0x7];
	v16 =	vld [tilespmem:s7+$0x80]  }
0xe2: {  	s18 =	simm.s32 $0x1C750;
	s0 =	sadd.s32 s21, s0;
	s10 =	simm.s32 $0x0;
	v8 =	vld.idx.msk [tilespmem:v8+s5+$0x0], $0xffff  }
0xe3: {  	s25 =	sand.u32 $0x60, s10;
	s26 =	sand.u32 $0x1F80, s23;
	s11 =	sadd.s32 $0x140, s4;
	v12 =	vld.idx.msk [tilespmem:v12+s5+$0x0], $0xffff  }
0xe4: {  	s4 =	simm.s32 $0x1C7F0;
	s24 =	sadd.s32 $0x18700, s6;
	s9 =	sor.u32 s25, s26;
	v11 =	vld.idx.msk [tilespmem:v18+s5+$0x0], $0xffff  }
.LBB2_11:
0xe5: {  	v18 =	vld [tilespmem:s8+$0x18700]  }
0xe6: {  	v19 =	vld [tilespmem:s24+$0x80]  }
0xe7: {  	s13 =	rddreg [dreg:$0x5];
	s7 =	smov.u32 s10;
	v6 =	vld.idx.msk [tilespmem:v6+s5+$0x0], $0xffff  }
0xe8: {  	s15 =	sadd.s32 $0xFFFFFF20, s11;
	s12 =	sadd.s32 $0xFFFFFEE0, s11;
	s17 =	sadd.s32 s7, s13;
	v15 =	vld.idx.msk [tilespmem:v15+s5+$0x0], $0xffff  }
0xe9: {  	s14 =	sadd.s32 $0xFFFFFF80, s11;
	s3 =	sadd.s32 $0xFFFFFF00, s11;
	s16 =	sadd.s32 $0xB0, s17;
	v9 =	vld.idx.msk [tilespmem:v9+s5+$0x0], $0xffff  }
0xea: {  	s3 =	sand.u32 $0x3F00, s3;
	s23 =	sadd.s32 $0xA0, s17;
	s16 =	sand.u32 $0x70, s16;
	v14 =	vld.idx.msk [tilespmem:v14+s5+$0x0], $0xffff  }
0xeb: {  	s13 =	sand.u32 $0x3F00, s12;
	s23 =	sand.u32 $0x60, s23;
	v13 =	vmul.f32 v13, v17;
	v8 =	vmul.f32 v12, v8;
	v12 =	vld.idx.msk [tilespmem:v16+s5+$0x0], $0xffff;
	s3 =	sor.u32 s16, s3  }
0xec: {  	s12 =	sadd.s32 $0x130, s17;
	v16 =	vld.idx.msk [tilespmem:v0+s5+$0x0], $0xffff;
	s13 =	sor.u32 s23, s13;
	s23 =	sadd.s32 $0x18700, s3  }
0xed: {  	s25 =	sand.u32 $0x7F00, s15;
	s15 =	sand.u32 $0x7F00, s11;
	s12 =	sand.u32 $0x70, s12;
	v2 =	vmul.f32 v4, v2;
	[tilespmem:s18+$0xFFFFFFB0] =	vst v13;
	v0 =	vld [tilespmem:s23+$0x80]  }
0xee: {  	s24 =	sand.u32 $0x7F00, s14;
	v4 =	vmul.f32 v10, v5;
	s12 =	sor.u32 s12, s15;
	s14 =	sadd.s32 $0x18700, s13;
	v17 =	vld [tilespmem:s13+$0x18700]  }
0xef: {  	s15 =	sadd.s32 $0x18700, s12;
	[tilespmem:s18+$0x40] =	vst v2;
	v10 =	vld [tilespmem:s14+$0x80]  }
0xf0: {  	s26 =	sadd.s32 $0xFFFFFFE0, s11;
	s20 =	sadd.s32 $0xFFFFFF60, s11;
	[tilespmem:s18+$0x10] =	vst v4;
	v4 =	vld [tilespmem:s15+$0x80]  }
0xf1: {  	s21 =	sadd.s32 $0xFFFFFFA0, s11;
	s20 =	sand.u32 $0x7F00, s20;
	[tilespmem:s18+$0x0] =	vst v8;
	s13 =	sadd.s32 $0xC0, s17;
	v8 =	vld.idx.msk [tilespmem:v18+s5+$0x0], $0xffff;
	v11 =	vmul.f32 v15, v11  }
0xf2: {  	s21 =	sand.u32 $0x7F00, s21;
	s6 =	sadd.s32 $0x110, s17;
	v5 =	vmul.f32 v9, v7;
	v7 =	vld [tilespmem:s3+$0x18700];
	s3 =	sand.u32 $0x60, s13;
	v2 =	vmul.f32 v14, v3  }
0xf3: {  	s23 =	sadd.s32 $0x120, s17;
	v13 =	vld.idx.msk [tilespmem:v19+s5+$0x0], $0xffff;
	s3 =	sor.u32 s3, s25;
	s25 =	sadd.s32 $0xE0, s17;
	[tilespmem:s18+$0xFFFFFFF0] =	vst v11  }
0xf4: {  	s16 =	sand.u32 $0x7F00, s26;
	s23 =	sand.u32 $0x60, s23;
	v3 =	vld [tilespmem:s12+$0x18700];
	s14 =	sand.u32 $0x60, s25;
	[tilespmem:s18+$0xFFFFFFD0] =	vst v2  }
0xf5: {  	s26 =	sadd.s32 $0xD0, s17;
	[tilespmem:s9+$0x1C700] =	vst v5;
	s12 =	sor.u32 s14, s20;
	v11 =	vld [tilespmem:s3+$0x18700];
	s14 =	sor.u32 s23, s16  }
0xf6: {  	s13 =	sand.u32 $0x70, s26;
	s26 =	sadd.s32 $0x100, s17;
	s17 =	sadd.s32 $0xF0, s17;
	v18 =	vld [tilespmem:s14+$0x18700]  }
0xf7: {  	v1 =	vmul.f32 v16, v1;
	s25 =	sand.u32 $0x60, s26;
	s20 =	sand.u32 $0x70, s17;
	s3 =	sadd.s32 $0x18700, s3;
	v19 =	vld [tilespmem:s12+$0x18700]  }
0xf8: {  	s17 =	sor.u32 s25, s21;
	s24 =	sor.u32 s20, s24;
	v14 =	vld [tilespmem:s3+$0x80]  }
0xf9: {  	[tilespmem:s18+$0xFFFFFFC0] =	vst v1;
	s26 =	sadd.s32 $0x18700, s17;
	v1 =	vld [tilespmem:s24+$0x18700]  }
0xfa: {  	s21 =	sadd.s32 $0x18700, s14;
	v16 =	vld [tilespmem:s26+$0x80]  }
0xfb: {  	v5 =	vmul.f32 v13, v6;
	s20 =	sadd.s32 $0x18700, s12;
	v9 =	vld [tilespmem:s21+$0x80]  }
0xfc: {  	v15 =	vld [tilespmem:s20+$0x80]  }
0xfd: {  	[tilespmem:s18+$0x20] =	vst v5;
	v5 =	vld [tilespmem:s17+$0x18700]  }
0xfe: {  	v4 =	vld.idx.msk [tilespmem:v4+s5+$0x0], $0xffff  }
0xff: {  	s1 =	sadd.s32 $0xFFFFFFC0, s11;
	v13 =	vld.idx.msk [tilespmem:v10+s5+$0x0], $0xffff  }
0x100: {  	s1 =	sand.u32 $0x7F00, s1;
	s6 =	sand.u32 $0x70, s6;
	s17 =	sadd.s32 $0x18700, s24;
	v17 =	vld.idx.msk [tilespmem:v17+s5+$0x0], $0xffff  }
0x101: {  	s1 =	sor.u32 s6, s1;
	v2 =	vmul.f32 v12, v8;
	v12 =	vld [tilespmem:s17+$0x80]  }
0x102: {  	v6 =	vld [tilespmem:s1+$0x18700]  }
0x103: {  	[tilespmem:s18+$0xFFFFFFE0] =	vst v2;
	v2 =	vld.idx.msk [tilespmem:v3+s5+$0x0], $0xffff  }
0x104: {  	v3 =	vld.idx.msk [tilespmem:v11+s5+$0x0], $0xffff  }
0x105: {  	v11 =	vld.idx.msk [tilespmem:v19+s5+$0x0], $0xffff  }
0x106: {  	s10 =	sadd.s32 $0xA0, s10;
	s8 =	sadd.s32 $0xFFFFFF40, s11;
	v8 =	vld.idx.msk [tilespmem:v1+s5+$0x0], $0xffff  }
0x107: {  	p4 =	slt.u32 s10, $0xF00;
	s23 =	sand.u32 $0x7F00, s8;
	v1 =	vld.idx.msk [tilespmem:v7+s5+$0x0], $0xffff  }
.Ltmp4:
0x108: {  	s8 =	sor.u32 s13, s23;
	v7 =	vld.idx.msk [tilespmem:v18+s5+$0x0], $0xffff;
	(pc) =	sbr.rel @p4 .LBB2_11-.Ltmp4, $4  }
0x109: {  	s24 =	sadd.s32 $0x18700, s1;
	s1 =	sadd.s32 $0x18700, s8;
	v10 =	vld.idx.msk [tilespmem:v16+s5+$0x0], $0xffff  }
0x10a: {  	s25 =	sadd.s32 $0x120, s7;
	v16 =	vld [tilespmem:s1+$0x80]  }
0x10b: {  	s11 =	sadd.s32 $0x140, s11;
	s9 =	sand.u32 $0x60, s10;
	s26 =	sand.u32 $0x1F80, s25;
	v5 =	vld.idx.msk [tilespmem:v5+s5+$0x0], $0xffff  }
0x10c: {  	s18 =	smov.u32 s4;
	s9 =	sor.u32 s9, s26;
	s4 =	sadd.s32 $0xA0, s4;
	v12 =	vld.idx.msk [tilespmem:v12+s5+$0x0], $0xffff  }
0x10d: {  	_ =	sdelay $0x1  }
0x10e: {  	v18 =	vld [tilespmem:s24+$0x80]  }
0x10f: {  	v19 =	vld [tilespmem:s8+$0x18700]  }
0x110: {  	v15 =	vld.idx.msk [tilespmem:v15+s5+$0x0], $0xffff  }
0x111: {  	v9 =	vld.idx.msk [tilespmem:v9+s5+$0x0], $0xffff  }
0x112: {  	v14 =	vld.idx.msk [tilespmem:v14+s5+$0x0], $0xffff  }
0x113: {  	v6 =	vld.idx.msk [tilespmem:v6+s5+$0x0], $0xffff;
	v2 =	vmul.f32 v4, v2  }
0x114: {  	v0 =	vld.idx.msk [tilespmem:v0+s5+$0x0], $0xffff;
	v8 =	vmul.f32 v12, v8  }
0x115: {  	[tilespmem:s18+$0x40] =	vst v2;
	v5 =	vmul.f32 v10, v5;
	v12 =	vmul.f32 v13, v17;
	v13 =	vld.idx.msk [tilespmem:v16+s5+$0x0], $0xffff  }
0x116: {  	[tilespmem:s18+$0x0] =	vst v8;
	v8 =	vmul.f32 v15, v11;
	v11 =	vld.idx.msk [tilespmem:v18+s5+$0x0], $0xffff  }
0x117: {  	v7 =	vmul.f32 v9, v7;
	[tilespmem:s18+$0x10] =	vst v5;
	v4 =	vld.idx.msk [tilespmem:v19+s5+$0x0], $0xffff  }
0x118: {  	v2 =	vmul.f32 v14, v3;
	[tilespmem:s18+$0xFFFFFFB0] =	vst v12  }
0x119: {  	v0 =	vmul.f32 v0, v1;
	[tilespmem:s9+$0x1C700] =	vst v7  }
0x11a: {  	[tilespmem:s18+$0xFFFFFFD0] =	vst v2  }
0x11b: {  	[tilespmem:s18+$0xFFFFFFC0] =	vst v0;
	v1 =	vmul.f32 v11, v6  }
0x11c: {  	[tilespmem:s18+$0xFFFFFFF0] =	vst v8;
	v2 =	vmul.f32 v13, v4  }
0x11d: {  	s0 =	sshrl.u32 s0, $0x3;
	s1 =	smin.u32 s2, $0x2F;
	s25 =	rddreg [dreg:$0x2];
	[tilespmem:s18+$0x20] =	vst v1  }
0x11e: {  	s26 =	simm.s32 $0x1C700;
	s0 =	sadd.s32 s25, s0;
	s1 =	smul.u32 $0xFA0, s1;
	[tilespmem:s18+$0xFFFFFFE0] =	vst v2  }
0x11f: {  	[hbm4b:s0+s5] =	stream.linear.scatter [tilespmem:s26], [sflag:$0x3], $0xFA0, $0x38;
	[tilespmem:$0x1FF70] =	vst v63  }
0x120: {  	s2 =	rddreg [dreg:$0xd]  }
0x121: {  	s0 =	sadd.s32 s1, s2  }
0x122: {  	s0 =	sshrl.u32 s0, $0x2  }
0x123: {  	s0 =	sand.u32 $0x7FFFE0, s0  }
0x124: {  	s3 =	simm.s32 $0x18700;
	s4 =	simm.s32 $0x2;
	s0 =	sadd.s32 s22, s0  }
0x125: {  	[tilespmem:s3], [sflag:$0x1] =	stream.linear.gather [hbm4b:s0+s5], $0x2000, $0x38;
	[tilespmem:$0x1FF70] =	vst v63  }
0x126: {  	_ =	swait.ge [sflag:s4], $0x2000  }
0x127: {  	[sflag:s4] =	ssyncset.done $0x0  }
0x128: {  	s1 =	simm.s32 @!p3 $0x4;
	[sflag:s4] =	ssyncadd.s32 $0xFFFFE000  }
0x129: {  	s8 =	sadd.s32 $0xFFFFFF00, s31;
	_ =	swait.ge @!p3 [sflag:s1], $0xFA0  }
0x12a: {  	s2 =	sand.u32 $0x3F00, s8;
	s4 =	sadd.s32 $0xFFFFFEE0, s31;
	s6 =	rddreg [dreg:$0x6]  }
0x12b: {  	s3 =	sadd.s32 $0xFFFFFF20, s31;
	s4 =	sand.u32 $0x3F00, s4;
	s0 =	sadd.s32 $0xFFFFFF60, s6  }
0x12c: {  	[sflag:s1] =	ssyncset.done @!p3 $0x0;
	s7 =	sadd.s32 $0xB0, s0;
	s6 =	sadd.s32 $0xA0, s0  }
0x12d: {  	[sflag:s1] =	ssyncadd.s32 @!p3 $0xFFFFF060;
	s1 =	sand.u32 $0x70, s7;
	s9 =	sand.u32 $0x60, s6  }
0x12e: {  	s15 =	sadd.s32 $0xC0, s0;
	s1 =	sor.u32 s1, s2;
	s2 =	sor.u32 s9, s4  }
0x12f: {  	s3 =	sand.u32 $0x7F00, s3;
	s17 =	sand.u32 $0x60, s15;
	v17 =	vld [tilespmem:s2+$0x1A700]  }
0x130: {  	s11 =	sand.u32 $0x7F00, s31;
	s13 =	sadd.s32 $0xFFFFFF80, s31;
	s3 =	sor.u32 s17, s3;
	v1 =	vld [tilespmem:s1+$0x1A700]  }
0x131: {  	s14 =	sand.u32 $0x7F00, s13;
	s7 =	sadd.s32 $0x130, s0;
	s10 =	sadd.s32 $0x1A700, s1;
	v9 =	vld [tilespmem:s3+$0x1A700]  }
0x132: {  	s18 =	sadd.s32 $0xF0, s0;
	s7 =	sand.u32 $0x70, s7;
	s2 =	sadd.s32 $0x1A700, s2;
	v0 =	vld [tilespmem:s10+$0x80]  }
0x133: {  	s26 =	smov.u32 s22;
	s22 =	sand.u32 $0x70, s18;
	s16 =	sor.u32 s7, s11;
	v7 =	vld [tilespmem:s2+$0x80]  }
0x134: {  	s1 =	sor.u32 s22, s14;
	v2 =	vld [tilespmem:s16+$0x1A700]  }
0x135: {  	s12 =	sadd.s32 $0xFFFFFFA0, s31;
	s21 =	sadd.s32 $0x100, s0;
	s20 =	sadd.s32 $0x1A700, s16;
	v5 =	vld [tilespmem:s1+$0x1A700]  }
0x136: {  	s6 =	sand.u32 $0x7F00, s12;
	s2 =	sand.u32 $0x60, s21;
	s1 =	sadd.s32 $0x1A700, s1;
	v3 =	vld [tilespmem:s20+$0x80]  }
0x137: {  	s23 =	sadd.s32 $0xFFFFFFE0, s31;
	s24 =	sadd.s32 $0xFFFFFFC0, s31;
	s2 =	sor.u32 s2, s6;
	v12 =	vld [tilespmem:s1+$0x80]  }
0x138: {  	s25 =	sadd.s32 $0x110, s0;
	s10 =	sadd.s32 $0x120, s0;
	s20 =	sadd.s32 $0x1A700, s3;
	v11 =	vld [tilespmem:s2+$0x1A700]  }
0x139: {  	s12 =	sand.u32 $0x7F00, s23;
	s13 =	sand.u32 $0x60, s10;
	s11 =	sadd.s32 $0x1A700, s2;
	v14 =	vld [tilespmem:s20+$0x80]  }
0x13a: {  	s7 =	sand.u32 $0x7F00, s24;
	s6 =	sand.u32 $0x70, s25;
	s2 =	sor.u32 s13, s12;
	v16 =	vld [tilespmem:s11+$0x80]  }
0x13b: {  	s15 =	sadd.s32 $0xFFFFFF60, s31;
	s16 =	sadd.s32 $0xE0, s0;
	s14 =	sor.u32 s6, s7;
	v18 =	vld [tilespmem:s2+$0x1A700]  }
0x13c: {  	s17 =	sand.u32 $0x7F00, s15;
	s18 =	sand.u32 $0x60, s16;
	v6 =	vld [tilespmem:s14+$0x1A700];
	s2 =	sadd.s32 $0x1A700, s2  }
0x13d: {  	v10 =	vld [tilespmem:s2+$0x80];
	s2 =	sor.u32 s18, s17  }
0x13e: {  	v19 =	vld [tilespmem:s2+$0x1A700];
	s2 =	sadd.s32 $0x1A700, s2  }
0x13f: {  	v15 =	vld [tilespmem:s2+$0x80]  }
0x140: {  	v1 =	vld.idx.msk [tilespmem:v1+s5+$0x0], $0xffff  }
0x141: {  	v17 =	vld.idx.msk [tilespmem:v17+s5+$0x0], $0xffff  }
0x142: {  	v2 =	vld.idx.msk [tilespmem:v2+s5+$0x0], $0xffff  }
0x143: {  	v8 =	vld.idx.msk [tilespmem:v5+s5+$0x0], $0xffff  }
0x144: {  	v13 =	vld.idx.msk [tilespmem:v7+s5+$0x0], $0xffff  }
0x145: {  	v4 =	vld.idx.msk [tilespmem:v3+s5+$0x0], $0xffff  }
0x146: {  	v12 =	vld.idx.msk [tilespmem:v12+s5+$0x0], $0xffff  }
0x147: {  	s21 =	sadd.s32 $0xFFFFFF40, s31;
	s0 =	sadd.s32 $0xD0, s0;
	v3 =	vld.idx.msk [tilespmem:v9+s5+$0x0], $0xffff  }
0x148: {  	s22 =	sand.u32 $0x70, s0;
	s2 =	sand.u32 $0x7F00, s21;
	v5 =	vld.idx.msk [tilespmem:v11+s5+$0x0], $0xffff  }
0x149: {  	s23 =	simm.s32 $0x80;
	s8 =	sor.u32 s22, s2;
	v7 =	vld.idx.msk [tilespmem:v18+s5+$0x0], $0xffff  }
0x14a: {  	s4 =	simm.s32 $0x1D7F0;
	s2 =	simm.s32 $0x0;
	s3 =	sadd.s32 $0x1A700, s8;
	v9 =	vld.idx.msk [tilespmem:v16+s5+$0x0], $0xffff  }
0x14b: {  	s0 =	simm.s32 $0x1D750;
	s25 =	sand.u32 $0x1F80, s23;
	s24 =	sand.u32 $0x60, s2;
	v16 =	vld [tilespmem:s3+$0x80]  }
0x14c: {  	s10 =	sadd.s32 $0x140, s31;
	s15 =	sadd.s32 $0x1A700, s14;
	s9 =	sor.u32 s24, s25;
	v11 =	vld.idx.msk [tilespmem:v19+s5+$0x0], $0xffff  }
.LBB2_13:
0x14d: {  	v18 =	vld [tilespmem:s8+$0x1A700]  }
0x14e: {  	v19 =	vld [tilespmem:s15+$0x80]  }
0x14f: {  	s1 =	rddreg [dreg:$0x6];
	s7 =	smov.u32 s2;
	v14 =	vld.idx.msk [tilespmem:v14+s5+$0x0], $0xffff  }
0x150: {  	s3 =	sadd.s32 $0xFFFFFF20, s10;
	s17 =	sadd.s32 s7, s1;
	v15 =	vld.idx.msk [tilespmem:v15+s5+$0x0], $0xffff  }
0x151: {  	s12 =	sadd.s32 $0xFFFFFF80, s10;
	s24 =	sadd.s32 $0xFFFFFF00, s10;
	s23 =	sadd.s32 $0xB0, s17;
	v10 =	vld.idx.msk [tilespmem:v10+s5+$0x0], $0xffff  }
0x152: {  	s15 =	sand.u32 $0x7F00, s12;
	s12 =	sand.u32 $0x3F00, s24;
	s20 =	sand.u32 $0x70, s23;
	v6 =	vld.idx.msk [tilespmem:v6+s5+$0x0], $0xffff  }
0x153: {  	s22 =	sadd.s32 $0xFFFFFEE0, s10;
	s14 =	sadd.s32 $0xA0, s17;
	v13 =	vmul.f32 v13, v17;
	v8 =	vmul.f32 v12, v8;
	v12 =	vld.idx.msk [tilespmem:v16+s5+$0x0], $0xffff;
	s12 =	sor.u32 s20, s12  }
0x154: {  	s1 =	sand.u32 $0x3F00, s22;
	s14 =	sand.u32 $0x60, s14;
	v16 =	vld.idx.msk [tilespmem:v0+s5+$0x0], $0xffff;
	s25 =	sadd.s32 $0x1A700, s12  }
0x155: {  	s13 =	sand.u32 $0x7F00, s10;
	s21 =	sadd.s32 $0xFFFFFF60, s10;
	s1 =	sor.u32 s14, s1;
	[tilespmem:s0+$0xFFFFFFB0] =	vst v13;
	v0 =	vld [tilespmem:s25+$0x80]  }
0x156: {  	s11 =	sadd.s32 $0xFFFFFFA0, s10;
	s18 =	sand.u32 $0x7F00, s3;
	s24 =	sadd.s32 $0x1A700, s1;
	v17 =	vld [tilespmem:s1+$0x1A700]  }
0x157: {  	s3 =	sand.u32 $0x7F00, s21;
	s21 =	sadd.s32 $0x110, s17;
	s23 =	sadd.s32 $0x130, s17;
	v2 =	vmul.f32 v4, v2;
	v4 =	vmul.f32 v9, v5;
	v9 =	vld [tilespmem:s24+$0x80]  }
0x158: {  	s31 =	sadd.s32 $0xD0, s17;
	s22 =	sadd.s32 $0xE0, s17;
	s23 =	sand.u32 $0x70, s23;
	[tilespmem:s0+$0x0] =	vst v8;
	v8 =	vld.idx.msk [tilespmem:v18+s5+$0x0], $0xffff  }
0x159: {  	s14 =	sand.u32 $0x7F00, s11;
	s11 =	sadd.s32 $0xC0, s17;
	s13 =	sor.u32 s23, s13;
	[tilespmem:s0+$0x40] =	vst v2;
	v13 =	vld.idx.msk [tilespmem:v19+s5+$0x0], $0xffff  }
0x15a: {  	s1 =	sand.u32 $0x60, s11;
	s11 =	sand.u32 $0x70, s31;
	s31 =	sadd.s32 $0x1A700, s13;
	v2 =	vmul.f32 v14, v3;
	v3 =	vld [tilespmem:s13+$0x1A700]  }
0x15b: {  	s20 =	sadd.s32 $0x100, s17;
	s25 =	sadd.s32 $0x120, s17;
	[tilespmem:s0+$0x10] =	vst v4;
	s17 =	sadd.s32 $0xF0, s17;
	v4 =	vld [tilespmem:s31+$0x80];
	v11 =	vmul.f32 v15, v11  }
0x15c: {  	s1 =	sor.u32 s1, s18;
	s13 =	sand.u32 $0x70, s17;
	v5 =	vmul.f32 v10, v7;
	v7 =	vld [tilespmem:s12+$0x1A700];
	v1 =	vmul.f32 v16, v1;
	s12 =	sand.u32 $0x60, s20;
	[tilespmem:s0+$0xFFFFFFD0] =	vst v2  }
0x15d: {  	s6 =	sadd.s32 $0xFFFFFFE0, s10;
	s15 =	sor.u32 s13, s15;
	s12 =	sor.u32 s12, s14;
	[tilespmem:s0+$0xFFFFFFF0] =	vst v11;
	v11 =	vld [tilespmem:s1+$0x1A700]  }
0x15e: {  	s6 =	sand.u32 $0x7F00, s6;
	s17 =	sand.u32 $0x60, s25;
	[tilespmem:s0+$0xFFFFFFC0] =	vst v1;
	v1 =	vld [tilespmem:s15+$0x1A700];
	s20 =	sadd.s32 $0x1A700, s12  }
0x15f: {  	s24 =	sand.u32 $0x60, s22;
	s6 =	sor.u32 s17, s6;
	[tilespmem:s9+$0x1D700] =	vst v5;
	v16 =	vld [tilespmem:s20+$0x80]  }
0x160: {  	s3 =	sor.u32 s24, s3;
	v18 =	vld [tilespmem:s6+$0x1A700]  }
0x161: {  	s18 =	sadd.s32 $0x1A700, s3;
	v19 =	vld [tilespmem:s3+$0x1A700]  }
0x162: {  	s1 =	sadd.s32 $0x1A700, s1;
	v15 =	vld [tilespmem:s18+$0x80]  }
0x163: {  	s23 =	sadd.s32 $0x1A700, s15;
	v14 =	vld [tilespmem:s1+$0x80]  }
0x164: {  	s6 =	sadd.s32 $0x1A700, s6;
	v2 =	vmul.f32 v12, v8;
	v5 =	vmul.f32 v13, v6;
	v12 =	vld [tilespmem:s23+$0x80]  }
0x165: {  	v10 =	vld [tilespmem:s6+$0x80]  }
0x166: {  	s16 =	sadd.s32 $0xFFFFFFC0, s10;
	[tilespmem:s0+$0x20] =	vst v5;
	v5 =	vld [tilespmem:s12+$0x1A700]  }
0x167: {  	s16 =	sand.u32 $0x7F00, s16;
	s21 =	sand.u32 $0x70, s21;
	v13 =	vld.idx.msk [tilespmem:v9+s5+$0x0], $0xffff  }
0x168: {  	s22 =	sor.u32 s21, s16;
	v17 =	vld.idx.msk [tilespmem:v17+s5+$0x0], $0xffff  }
0x169: {  	v6 =	vld [tilespmem:s22+$0x1A700]  }
0x16a: {  	[tilespmem:s0+$0xFFFFFFE0] =	vst v2;
	v2 =	vld.idx.msk [tilespmem:v3+s5+$0x0], $0xffff  }
0x16b: {  	v4 =	vld.idx.msk [tilespmem:v4+s5+$0x0], $0xffff  }
0x16c: {  	v8 =	vld.idx.msk [tilespmem:v1+s5+$0x0], $0xffff  }
0x16d: {  	v1 =	vld.idx.msk [tilespmem:v7+s5+$0x0], $0xffff  }
0x16e: {  	s2 =	sadd.s32 $0xA0, s2;
	s8 =	sadd.s32 $0xFFFFFF40, s10;
	v3 =	vld.idx.msk [tilespmem:v11+s5+$0x0], $0xffff  }
0x16f: {  	p3 =	slt.u32 s2, $0xF00;
	s24 =	sand.u32 $0x7F00, s8;
	v11 =	vld.idx.msk [tilespmem:v19+s5+$0x0], $0xffff  }
.Ltmp5:
0x170: {  	s8 =	sor.u32 s11, s24;
	v7 =	vld.idx.msk [tilespmem:v18+s5+$0x0], $0xffff;
	(pc) =	sbr.rel @p3 .LBB2_13-.Ltmp5, $4  }
0x171: {  	s1 =	sadd.s32 $0x1A700, s8;
	v9 =	vld.idx.msk [tilespmem:v16+s5+$0x0], $0xffff  }
0x172: {  	s10 =	sadd.s32 $0x140, s10;
	s25 =	sadd.s32 $0x120, s7;
	v16 =	vld [tilespmem:s1+$0x80]  }
0x173: {  	s31 =	sand.u32 $0x1F80, s25;
	s9 =	sand.u32 $0x60, s2;
	s15 =	sadd.s32 $0x1A700, s22;
	v12 =	vld.idx.msk [tilespmem:v12+s5+$0x0], $0xffff  }
0x174: {  	s9 =	sor.u32 s9, s31;
	s0 =	smov.u32 s4;
	s4 =	sadd.s32 $0xA0, s4;
	v5 =	vld.idx.msk [tilespmem:v5+s5+$0x0], $0xffff  }
0x175: {  	_ =	sdelay $0x1  }
0x176: {  	v18 =	vld [tilespmem:s15+$0x80]  }
0x177: {  	v19 =	vld [tilespmem:s8+$0x1A700]  }
0x178: {  	v15 =	vld.idx.msk [tilespmem:v15+s5+$0x0], $0xffff  }
0x179: {  	v10 =	vld.idx.msk [tilespmem:v10+s5+$0x0], $0xffff  }
0x17a: {  	v14 =	vld.idx.msk [tilespmem:v14+s5+$0x0], $0xffff  }
0x17b: {  	v6 =	vld.idx.msk [tilespmem:v6+s5+$0x0], $0xffff;
	v56 =	vmul.f32 v13, v17  }
0x17c: {  	v0 =	vld.idx.msk [tilespmem:v0+s5+$0x0], $0xffff;
	v2 =	vmul.f32 v4, v2  }
0x17d: {  	v57 =	vld.idx.msk [tilespmem:v16+s5+$0x0], $0xffff;
	[tilespmem:s0+$0xFFFFFFB0] =	vst v56;
	v8 =	vmul.f32 v12, v8  }
0x17e: {  	[tilespmem:s0+$0x40] =	vst v2;
	v5 =	vmul.f32 v9, v5;
	v59 =	vld.idx.msk [tilespmem:v18+s5+$0x0], $0xffff  }
0x17f: {  	[tilespmem:s0+$0x0] =	vst v8;
	v58 =	vmul.f32 v15, v11;
	v60 =	vld.idx.msk [tilespmem:v19+s5+$0x0], $0xffff  }
0x180: {  	v7 =	vmul.f32 v10, v7;
	[tilespmem:s0+$0x10] =	vst v5  }
0x181: {  	s28 =	sadd.s32 $0x1, s28;
	v61 =	vmul.f32 v14, v3;
	[tilespmem:s0+$0xFFFFFFF0] =	vst v58  }
0x182: {  	p3 =	sne.s32 s28, $0x19;
	v0 =	vmul.f32 v0, v1;
	[tilespmem:s9+$0x1D700] =	vst v7  }
.Ltmp6:
0x183: {  	[tilespmem:s0+$0xFFFFFFD0] =	vst v61;
	v62 =	vmul.f32 v59, v6;
	(pc) =	sbr.rel @p3 .LBB2_10-.Ltmp6, $4  }
0x184: {  	[tilespmem:s0+$0xFFFFFFC0] =	vst v0;
	v63 =	vmul.f32 v57, v60  }
0x185: {  	s1 =	sshrl.u32 s30, $0x3;
	s30 =	rddreg [dreg:$0x2];
	s31 =	simm.s32 $0x1D700;
	[tilespmem:s0+$0x20] =	vst v62  }
0x186: {  	p2 =	por !p2, !p2;
	s29 =	sadd.s32 $0x2, s29;
	[tilespmem:s0+$0xFFFFFFE0] =	vst v63;
	s0 =	sadd.s32 s30, s1  }
0x187: {  	[hbm4b:s0+s5] =	stream.linear.scatter [tilespmem:s31], [sflag:$0x4], $0xFA0, $0x38;
	[tilespmem:$0x1FF70] =	vst v63  }
0x188: {  	s0 =	simm.s32 $0x3  }
0x189: {  	_ =	swait.ge [sflag:s0], $0xFA0  }
0x18a: {  	[sflag:s0] =	ssyncset.done $0x0  }
0x18b: {  	s30 =	simm.s32 $0x4;
	[sflag:s0] =	ssyncadd.s32 $0xFFFFF060  }
0x18c: {  	_ =	swait.ge [sflag:s30], $0xFA0  }
0x18d: {  	[sflag:s30] =	ssyncset.done $0x0  }
0x18e: {  	[sflag:s30] =	ssyncadd.s32 $0xFFFFF060  }
0x18f: {  	_ =	swait.ge [sflag:s19], $0x2000  }
0x190: {  	s1 =	rddreg [dreg:$0x11]  }
0x191: {  	s31 =	rddreg [dreg:$0xe];
	s1 =	sadd.s32 $0x1, s1  }
0x192: {  	p2 =	sne.s32 s1, s31  }
.Ltmp7:
0x193: {  	_ = 	snop;
	(pc) =	sbr.rel @p2 .LBB2_1-.Ltmp7, $3  }
0x194: {  	_ =	sdelay $0x1  }
0x195: {  	[sflag:s19] =	ssyncset.done $0x0  }
0x196: {  	s3 =	simm.s32 $0x5;
	[sflag:s19] =	ssyncadd.s32 $0xFFFFE000  }
0x197: {  	_ =	sfence.sel $0x180000  }
0x198: {  	[bflag:$0x0] =	sbarrier.arrive $0xFFFF  }
0x199: {  	_ =	strace $0x90000047  }
0x19a: {  	s0 =	stileid.u32;
	[bflag:$0x2] =	sbarrier.arrive $0xFFFF  }
0x19b: {  	p0 =	sne.s32 s0, $0x0;
	s0 =	rddreg [dreg:$0x4]  }
0x19c: {  	s0 =	sadd.s32 @!p0 $0x100000, s0  }
0x19d: {  	[sflag:s0] =	ssyncadd.tile.s32 @!p0 $0x1;
	_ =	shalt  }
.Lfunc_end2:
_tile_overlayer_lowered:
.L_overlay_start_2:
0x19e: {  	(tag) =	ssettag $0x2  }
0x19f: {  	s0 =	rddreg [dreg:$0x0];
	s2 =	stileid.u32  }
0x1a0: {  	s1 =	rddreg [dreg:$0x1];
	p0 =	sne.s32 s2, $0x0  }
0x1a1: {  	s3 =	rddreg [dreg:$0x2];
	[bflag:$0x3] =	sbarrier.arrive $0xFFFF;
	s2 =	simm.s32 @!p0 $0x1C05  }
0x1a2: {  	[timem:s3], [sflag:s2] =	dma.local @!p0 [hbm:s0], s1  }
0x1a3: {  	s0 =	simm.s32 @!p0 $0x5  }
0x1a4: {  	_ =	swait.ge @!p0 [sflag:s0], s1  }
0x1a5: {  	s1 =	ssub.s32 @!p0 $0x0, s1;
	[sflag:s0] =	ssyncset.done @!p0 $0x0  }
0x1a6: {  	[sflag:s0] =	ssyncadd.s32 @!p0 s1  }
0x1a7: {  	[bflag:$0x3] =	sbarrier.arrive $0xFFFF  }
0x1a8: {  	_ =	shalt  }

</sc_bundles>
